<compile_context>
chip_gen: v7x
topology: tpu7x:2x2x1
jax: 0.10.2.dev20260603
libtpu: 0.0.44.dev20260713+nightly
codegen_flags: <defaults>
</compile_context>

<pallas_src>
import functools
import numpy as np
import jax
import jax.numpy as jnp
from jax import lax
from jax.experimental import pallas as pl
from jax.experimental.pallas import tpu as pltpu
from jax.experimental.pallas import tpu_sc as plsc

_ACTION_DIM = 16
_TANH_ITERS = 4
_CEM = 1024
_TOPK = 16
_B = 512
_SDIM = 128
_HID = 128
_CBLK = 32
_G = _CEM // _CBLK
_N = _CBLK * _B

_K1 = 0
_K2 = 12345
_K3 = (0x1BD11BDA ^ _K1 ^ _K2) - (1 << 32) if (0x1BD11BDA ^ _K1 ^ _K2) >= (1 << 31) else (0x1BD11BDA ^ _K1 ^ _K2)
_KS = (_K1, _K2, _K3)
_ROTS = ((13, 15, 26, 6), (17, 29, 16, 24))
_MINVAL = float(np.nextafter(np.float32(-1.0), np.float32(0.0)))
_SCALE = float(np.float32(1.0) - np.float32(_MINVAL))
_SQRT2 = float(np.float32(np.sqrt(2.0)))
_EXP_ONE = 0x3F800000


def _rotl(x, d):
    return jax.lax.shift_left(x, jnp.int32(d)) | jax.lax.shift_right_logical(
        x, jnp.int32(32 - d))


def _threefry_bits(x2):
    x1 = jnp.zeros_like(x2) + jnp.int32(_KS[0])
    x2 = x2 + jnp.int32(_KS[1])
    for g in range(5):
        for r in _ROTS[g % 2]:
            x1 = x1 + x2
            x2 = _rotl(x2, r)
            x2 = x1 ^ x2
        x1 = x1 + jnp.int32(_KS[(g + 1) % 3])
        x2 = x2 + jnp.int32(_KS[(g + 2) % 3]) + jnp.int32(g + 1)
    return x1 ^ x2


def _bits_to_normal(bits):
    fb = jax.lax.shift_right_logical(bits, jnp.int32(9)) | jnp.int32(_EXP_ONE)
    f = jax.lax.bitcast_convert_type(fb, jnp.float32) - jnp.float32(1.0)
    u = jnp.maximum(jnp.float32(_MINVAL),
                    f * jnp.float32(_SCALE) + jnp.float32(_MINVAL))
    return jnp.float32(_SQRT2) * jax.lax.erf_inv(u)


def _tanh4(x):
    for _ in range(_TANH_ITERS):
        x = jnp.tanh(x)
    return x


def _cem_tc_kernel(statet_ref, w1at_ref, w1bt_ref, b1t_ref, w2t_ref,
                   qs_ref, m_ref):
    ci = pl.program_id(0)
    lane = jax.lax.broadcasted_iota(jnp.int32, (_ACTION_DIM, _N), 1)
    sub = jax.lax.broadcasted_iota(jnp.int32, (_ACTION_DIM, _N), 0)
    flat = (ci * _N * _ACTION_DIM
            + jax.lax.shift_left(jax.lax.shift_right_logical(lane, jnp.int32(9)), jnp.int32(13))
            + jax.lax.shift_left(lane & jnp.int32(511), jnp.int32(4))
            + sub)
    a4f = _tanh4(_bits_to_normal(_threefry_bits(flat)))
    swt = jnp.dot(w1at_ref[...], statet_ref[...],
                  preferred_element_type=jnp.float32) + b1t_ref[...]
    pret = jnp.dot(w1bt_ref[...], a4f,
                   preferred_element_type=jnp.float32)
    ht = jnp.tanh(pret + jnp.tile(swt, (1, _CBLK)))
    qs_ref[...] = jnp.dot(w2t_ref[...], ht,
                          preferred_element_type=jnp.float32).reshape(_CBLK, _B)
    mrow = jax.lax.broadcasted_iota(jnp.int32, (_CBLK, _B), 0)
    mlane = jax.lax.broadcasted_iota(jnp.int32, (_CBLK, _B), 1)
    mflat = jax.lax.shift_left(ci * _CBLK + mrow, jnp.int32(13)) + mlane
    m_ref[...] = _tanh4(_bits_to_normal(_threefry_bits(mflat)))


_NC, _NS = 2, 16
_NW = _NC * _NS
_CPW = _B // _NW


def _sc_select(qs_hbm, m_hbm, out_hbm, qv, mv, ov):
    wid = lax.axis_index("s") * _NC + lax.axis_index("c")
    pltpu.sync_copy(qs_hbm.at[wid], qv)
    pltpu.sync_copy(m_hbm.at[wid], mv)
    imin = jnp.iinfo(jnp.int32).min
    imax = jnp.iinfo(jnp.int32).max
    neg_inf = jnp.full((_CPW,), imin, jnp.int32)

    ones = jnp.full((_CPW,), -1, jnp.int32)
    zeros = jnp.zeros((_CPW,), jnp.int32)

    def row_body(i, carry):
        mval, midx, pval, pidx = carry
        q = qv[pl.ds(i * _CPW, _CPW)]
        iv = zeros + i
        lp = (jnp.where(q < pval, ones, zeros)
              | (jnp.where(q == pval, ones, zeros)
                 & jnp.where(iv < pidx, ones, zeros)))
        gc = (jnp.where(q > mval, ones, zeros)
              | (jnp.where(q == mval, ones, zeros)
                 & jnp.where(iv > midx, ones, zeros)))
        t = lp & gc
        return ((q & t) | (mval & ~t), (iv & t) | (midx & ~t),
                pval, pidx)

    pval = jnp.full((_CPW,), imax, jnp.int32)
    pidx = jnp.full((_CPW,), _CEM, jnp.int32)
    for _ in range(_TOPK):
        pval, pidx, _, _ = lax.fori_loop(
            0, _CEM, row_body,
            (neg_inf, jnp.full((_CPW,), -1, jnp.int32), pval, pidx))

    def m_body(i, sel):
        m_row = mv[pl.ds(i * _CPW, _CPW)]
        t = jnp.where((zeros + i) == pidx, ones, zeros)
        return (m_row & t) | (sel & ~t)

    ov[...] = lax.fori_loop(0, _CEM, m_body,
                            jnp.zeros((_CPW,), jnp.int32))
    pltpu.sync_copy(ov, out_hbm.at[wid])


def kernel(state, W1, b1, W2, b2):
    qs, m = pl.pallas_call(
        _cem_tc_kernel,
        grid=(_G,),
        in_specs=[
            pl.BlockSpec((_SDIM, _B), lambda i: (0, 0)),
            pl.BlockSpec((_SDIM, _SDIM), lambda i: (0, 0)),
            pl.BlockSpec((_HID, _ACTION_DIM), lambda i: (0, 0)),
            pl.BlockSpec((_SDIM, 1), lambda i: (0, 0)),
            pl.BlockSpec((1, _HID), lambda i: (0, 0)),
        ],
        out_specs=[pl.BlockSpec((_CBLK, _B), lambda i: (i, 0)),
                   pl.BlockSpec((_CBLK, _B), lambda i: (i, 0))],
        out_shape=[jax.ShapeDtypeStruct((_CEM, _B), jnp.float32),
                   jax.ShapeDtypeStruct((_CEM, _B), jnp.float32)],
    )(state.T, W1[:_SDIM, :].T, W1[_SDIM:, :].T,
      b1.reshape(_HID, 1), W2.T)

    qb = jax.lax.bitcast_convert_type(qs, jnp.int32)
    qkey = qb ^ (jax.lax.shift_right_arithmetic(qb, 31) & jnp.int32(0x7FFFFFFF))
    mb = jax.lax.bitcast_convert_type(m, jnp.int32)
    qs_w = qkey.reshape(_CEM, _NW, _CPW).transpose(1, 0, 2).reshape(_NW, _CEM * _CPW)
    m_w = mb.reshape(_CEM, _NW, _CPW).transpose(1, 0, 2).reshape(_NW, _CEM * _CPW)
    mesh = plsc.VectorSubcoreMesh(core_axis_name="c", subcore_axis_name="s")
    sel = functools.partial(
        pl.kernel,
        mesh=mesh,
        out_type=jax.ShapeDtypeStruct((_NW, _CPW), jnp.int32),
        scratch_types=[pltpu.VMEM((_CEM * _CPW,), jnp.int32),
                       pltpu.VMEM((_CEM * _CPW,), jnp.int32),
                       pltpu.VMEM((_CPW,), jnp.int32)],
    )(_sc_select)
    out = jax.lax.bitcast_convert_type(sel(qs_w, m_w), jnp.float32)
    return out.reshape(_B, 1)

# --- scband reference (transcript-rebuilt; emitter-appended) ---
"""Pipeline reference for scband-cross-entropy-guided-policy-12335146074465 (READ-ONLY COPY).

The authoritative reference and input builder live on the scoring server;
editing this copy changes nothing except your own understanding.
"""

import jax, jax.numpy as jnp
import numpy as np

ACTION_DIM = 16
ITERATIONS = 4
CEM_BATCH = 1024
TOPK = 16
B = 512
STATE_DIM = 128
HIDDEN = 128


def q_function(states, actions, W1, b1, W2, b2):
    # simple MLP Q(s, a) -> scalar per (candidate, state) pair
    x = jnp.concatenate([states, actions], axis=-1)
    h = jnp.tanh(jnp.einsum('cbi,ij->cbj', x, W1) + b1)
    q = jnp.einsum('cbj,jk->cbk', h, W2) + b2
    return q.squeeze(-1)  # (CEM_BATCH, B)


def setup_inputs() -> dict:
    key = jax.random.PRNGKey(0)
    k1, k2, k3 = jax.random.split(key, 3)
    state = jax.random.normal(k1, (B, STATE_DIM), dtype=jnp.float32)
    W1 = jax.random.normal(k2, (STATE_DIM + ACTION_DIM, HIDDEN), dtype=jnp.float32) * 0.05
    b1 = jnp.zeros((HIDDEN,), dtype=jnp.float32)
    W2 = jax.random.normal(k3, (HIDDEN, 1), dtype=jnp.float32) * 0.05
    b2 = jnp.zeros((1,), dtype=jnp.float32)
    return {"state": state, "W1": W1, "b1": b1, "W2": W2, "b2": b2}


def reference(state, W1, b1, W2, b2):
    # CEM candidate actions sampled from N(0, 1), fixed key stands in for np.random
    akey = jax.random.PRNGKey(12345)
    actions = jax.random.normal(akey, (CEM_BATCH, B, ACTION_DIM), dtype=jnp.float32)
    states = jnp.broadcast_to(state[None, :, :], (CEM_BATCH, B, STATE_DIM))
    best_action = None
    for _ in range(ITERATIONS):
        actions = jnp.tanh(actions)
        # torch.no_grad() equivalent
        Qs = jax.lax.stop_gradient(q_function(states, actions, W1, b1, W2, b2))  # (CEM_BATCH, B)
        # np.argpartition(Qs, topk, axis=0)[-topk:] realized via full argsort (valid argpartition result)
        Is = jnp.argsort(Qs, axis=0)[-TOPK:]  # (TOPK, B)
        _, nC, nR = actions.shape  # nC=B, nR=ACTION_DIM
        Is_flat = nC * nR * Is + nR * jnp.arange(nR)[:, None] + jnp.arange(nC)
        actions_topk = jnp.take(actions, Is_flat)[:, :, None]  # flat gather, (TOPK, B, 1)
        mean = actions_topk.mean(axis=0)
        std = actions_topk.std(axis=0)
        best_action = actions_topk[0]
    return best_action

if __name__ == "__main__":
    import jax
    _d = setup_inputs()
    print(jax.jit(kernel)(*tuple(_d.values())))

</pallas_src>

<mosaic_0001>
#map = affine_map<(d0, d1) -> (0, 0)>
module attributes {stable_mosaic.version = 14 : i64} {
  func.func @_sc_select(%arg0: i32, %arg1: i32, %arg2: memref<32x16384xi32, #tpu.memory_space<hbm>>, %arg3: memref<32x16384xi32, #tpu.memory_space<hbm>>, %arg4: memref<32x16xi32, #tpu.memory_space<hbm>>, %arg5: memref<16384xi32, #tpu.memory_space<vmem>>, %arg6: memref<16384xi32, #tpu.memory_space<vmem>>, %arg7: memref<16xi32, #tpu.memory_space<vmem>>) attributes {dimension_semantics = [#tpu.dimension_semantics<core_parallel>, #tpu.dimension_semantics<subcore_parallel>], iteration_bounds = array<i64: 2, 16>, scalar_prefetch = 0 : i64, scratch_operands = 3 : i64, tpu.core_type = #tpu.core_type<sc_vector_subcore>, window_params = [{transform_indices = #map}, {transform_indices = #map}, {transform_indices = #map}]} {
    %mul3A = arith.constant 2 : i32
    %mul3A_0 = arith.muli %arg1, %mul3A : i32
    %add3A = arith.addi %mul3A_0, %arg0 : i32
    "tpu.region"() ({
      %run_scoped3A = tpu.sem_alloc : memref<!tpu.dma_semaphore, #tpu.memory_space<semaphore_mem>>
      %dma_start3A = arith.constant 0 : i32
      %dma_start3A_148 = tpu.memref_slice %arg2[%add3A, %dma_start3A] : memref<32x16384xi32, #tpu.memory_space<hbm>> -> memref<1x16384xi32, #tpu.memory_space<hbm>>
      %dma_start3A_149 = tpu.memref_squeeze %dma_start3A_148 : memref<1x16384xi32, #tpu.memory_space<hbm>> -> memref<16384xi32, #tpu.memory_space<hbm>>
      %dma_start3A_150 = arith.constant 0 : i32
      %dma_start3A_151 = tpu.memref_slice %arg2[%add3A, %dma_start3A_150] : memref<32x16384xi32, #tpu.memory_space<hbm>> -> memref<1x16384xi32, #tpu.memory_space<hbm>>
      %dma_start3A_152 = tpu.memref_squeeze %dma_start3A_151 : memref<1x16384xi32, #tpu.memory_space<hbm>> -> memref<16384xi32, #tpu.memory_space<hbm>>
      tpu.enqueue_dma source(%dma_start3A_152 : memref<16384xi32, #tpu.memory_space<hbm>>) target(%arg5 : memref<16384xi32, #tpu.memory_space<vmem>>) target_semaphore(%run_scoped3A : memref<!tpu.dma_semaphore, #tpu.memory_space<semaphore_mem>>)
      %dma_wait3A = arith.constant 0 : i32
      %dma_wait3A_153 = tpu.memref_slice %arg2[%add3A, %dma_wait3A] : memref<32x16384xi32, #tpu.memory_space<hbm>> -> memref<1x16384xi32, #tpu.memory_space<hbm>>
      %dma_wait3A_154 = tpu.memref_squeeze %dma_wait3A_153 : memref<1x16384xi32, #tpu.memory_space<hbm>> -> memref<16384xi32, #tpu.memory_space<hbm>>
      %dma_wait3A_155 = arith.constant 0 : i32
      %dma_wait3A_156 = tpu.memref_slice %arg2[%add3A, %dma_wait3A_155] : memref<32x16384xi32, #tpu.memory_space<hbm>> -> memref<1x16384xi32, #tpu.memory_space<hbm>>
      %dma_wait3A_157 = tpu.memref_squeeze %dma_wait3A_156 : memref<1x16384xi32, #tpu.memory_space<hbm>> -> memref<16384xi32, #tpu.memory_space<hbm>>
      tpu.wait_dma2 semaphore(%run_scoped3A : memref<!tpu.dma_semaphore, #tpu.memory_space<semaphore_mem>>) src(%dma_wait3A_157 : memref<16384xi32, #tpu.memory_space<hbm>>) dst(%arg5 : memref<16384xi32, #tpu.memory_space<vmem>>)
      tpu.yield
    }) : () -> ()
    "tpu.region"() ({
      %run_scoped3A = tpu.sem_alloc : memref<!tpu.dma_semaphore, #tpu.memory_space<semaphore_mem>>
      %dma_start3A = arith.constant 0 : i32
      %dma_start3A_148 = tpu.memref_slice %arg3[%add3A, %dma_start3A] : memref<32x16384xi32, #tpu.memory_space<hbm>> -> memref<1x16384xi32, #tpu.memory_space<hbm>>
      %dma_start3A_149 = tpu.memref_squeeze %dma_start3A_148 : memref<1x16384xi32, #tpu.memory_space<hbm>> -> memref<16384xi32, #tpu.memory_space<hbm>>
      %dma_start3A_150 = arith.constant 0 : i32
      %dma_start3A_151 = tpu.memref_slice %arg3[%add3A, %dma_start3A_150] : memref<32x16384xi32, #tpu.memory_space<hbm>> -> memref<1x16384xi32, #tpu.memory_space<hbm>>
      %dma_start3A_152 = tpu.memref_squeeze %dma_start3A_151 : memref<1x16384xi32, #tpu.memory_space<hbm>> -> memref<16384xi32, #tpu.memory_space<hbm>>
      tpu.enqueue_dma source(%dma_start3A_152 : memref<16384xi32, #tpu.memory_space<hbm>>) target(%arg6 : memref<16384xi32, #tpu.memory_space<vmem>>) target_semaphore(%run_scoped3A : memref<!tpu.dma_semaphore, #tpu.memory_space<semaphore_mem>>)
      %dma_wait3A = arith.constant 0 : i32
      %dma_wait3A_153 = tpu.memref_slice %arg3[%add3A, %dma_wait3A] : memref<32x16384xi32, #tpu.memory_space<hbm>> -> memref<1x16384xi32, #tpu.memory_space<hbm>>
      %dma_wait3A_154 = tpu.memref_squeeze %dma_wait3A_153 : memref<1x16384xi32, #tpu.memory_space<hbm>> -> memref<16384xi32, #tpu.memory_space<hbm>>
      %dma_wait3A_155 = arith.constant 0 : i32
      %dma_wait3A_156 = tpu.memref_slice %arg3[%add3A, %dma_wait3A_155] : memref<32x16384xi32, #tpu.memory_space<hbm>> -> memref<1x16384xi32, #tpu.memory_space<hbm>>
      %dma_wait3A_157 = tpu.memref_squeeze %dma_wait3A_156 : memref<1x16384xi32, #tpu.memory_space<hbm>> -> memref<16384xi32, #tpu.memory_space<hbm>>
      tpu.wait_dma2 semaphore(%run_scoped3A : memref<!tpu.dma_semaphore, #tpu.memory_space<semaphore_mem>>) src(%dma_wait3A_157 : memref<16384xi32, #tpu.memory_space<hbm>>) dst(%arg6 : memref<16384xi32, #tpu.memory_space<vmem>>)
      tpu.yield
    }) : () -> ()
    %broadcast_in_dim3A = arith.constant -2147483648 : i32
    %broadcast_in_dim3A_1 = vector.broadcast %broadcast_in_dim3A : i32 to vector<16xi32>
    %broadcast_in_dim3A_2 = arith.constant -1 : i32
    %broadcast_in_dim3A_3 = vector.broadcast %broadcast_in_dim3A_2 : i32 to vector<16xi32>
    %broadcast_in_dim3A_4 = arith.constant 0 : i32
    %broadcast_in_dim3A_5 = vector.broadcast %broadcast_in_dim3A_4 : i32 to vector<16xi32>
    %broadcast_in_dim3A_6 = arith.constant 2147483647 : i32
    %broadcast_in_dim3A_7 = vector.broadcast %broadcast_in_dim3A_6 : i32 to vector<16xi32>
    %broadcast_in_dim3A_8 = arith.constant 1024 : i32
    %broadcast_in_dim3A_9 = vector.broadcast %broadcast_in_dim3A_8 : i32 to vector<16xi32>
    %broadcast_in_dim3A_10 = arith.constant -1 : i32
    %broadcast_in_dim3A_11 = vector.broadcast %broadcast_in_dim3A_10 : i32 to vector<16xi32>
    %scan3A = arith.constant 0 : i32
    %scan3A_12 = arith.constant 1024 : i32
    %scan3A_13 = arith.addi %scan3A, %scan3A_12 : i32
    %scan3A_14 = arith.constant 1 : i32
    %scan3A_15:2 = scf.for %scan3A_148 = %scan3A to %scan3A_13 step %scan3A_14 iter_args(%scan3A_149 = %broadcast_in_dim3A_1, %scan3A_150 = %broadcast_in_dim3A_11) -> (vector<16xi32>, vector<16xi32>)  : i32 {
      %mul3A_151 = arith.constant 16 : i32
      %mul3A_152 = arith.muli %scan3A_148, %mul3A_151 : i32
      %get3A = arith.index_cast %mul3A_152 : i32 to index
      %get3A_153 = tpu.vector_load %arg5[%get3A] {strides = array<i32>} : memref<16384xi32, #tpu.memory_space<vmem>>, vector<16xi32>,
      %get3A_154 = vector.shape_cast %get3A_153 : vector<16xi32> to vector<16xi32>
      %add3A_155 = vector.broadcast %scan3A_148 : i32 to vector<16xi32>
      %add3A_156 = arith.addi %broadcast_in_dim3A_5, %add3A_155 : vector<16xi32>
      %lt3A = arith.cmpi slt, %get3A_154, %broadcast_in_dim3A_7 : vector<16xi32>
      %select_n3A = arith.select %lt3A, %broadcast_in_dim3A_3, %broadcast_in_dim3A_5 : vector<16xi1>, vector<16xi32>
      %eq3A = arith.cmpi eq, %get3A_154, %broadcast_in_dim3A_7 : vector<16xi32>
      %select_n3A_157 = arith.select %eq3A, %broadcast_in_dim3A_3, %broadcast_in_dim3A_5 : vector<16xi1>, vector<16xi32>
      %lt3A_158 = arith.cmpi slt, %add3A_156, %broadcast_in_dim3A_9 : vector<16xi32>
      %select_n3A_159 = arith.select %lt3A_158, %broadcast_in_dim3A_3, %broadcast_in_dim3A_5 : vector<16xi1>, vector<16xi32>
      %and3A = arith.andi %select_n3A_157, %select_n3A_159 : vector<16xi32>
      %or3A = arith.ori %select_n3A, %and3A : vector<16xi32>
      %gt3A = arith.cmpi sgt, %get3A_154, %scan3A_149 : vector<16xi32>
      %select_n3A_160 = arith.select %gt3A, %broadcast_in_dim3A_3, %broadcast_in_dim3A_5 : vector<16xi1>, vector<16xi32>
      %eq3A_161 = arith.cmpi eq, %get3A_154, %scan3A_149 : vector<16xi32>
      %select_n3A_162 = arith.select %eq3A_161, %broadcast_in_dim3A_3, %broadcast_in_dim3A_5 : vector<16xi1>, vector<16xi32>
      %gt3A_163 = arith.cmpi sgt, %add3A_156, %scan3A_150 : vector<16xi32>
      %select_n3A_164 = arith.select %gt3A_163, %broadcast_in_dim3A_3, %broadcast_in_dim3A_5 : vector<16xi1>, vector<16xi32>
      %and3A_165 = arith.andi %select_n3A_162, %select_n3A_164 : vector<16xi32>
      %or3A_166 = arith.ori %select_n3A_160, %and3A_165 : vector<16xi32>
      %and3A_167 = arith.andi %or3A, %or3A_166 : vector<16xi32>
      %and3A_168 = arith.andi %get3A_154, %and3A_167 : vector<16xi32>
      %not3A = arith.constant dense<-1> : vector<16xi32>
      %not3A_169 = arith.xori %and3A_167, %not3A : vector<16xi32>
      %and3A_170 = arith.andi %scan3A_149, %not3A_169 : vector<16xi32>
      %or3A_171 = arith.ori %and3A_168, %and3A_170 : vector<16xi32>
      %and3A_172 = arith.andi %add3A_156, %and3A_167 : vector<16xi32>
      %not3A_173 = arith.constant dense<-1> : vector<16xi32>
      %not3A_174 = arith.xori %and3A_167, %not3A_173 : vector<16xi32>
      %and3A_175 = arith.andi %scan3A_150, %not3A_174 : vector<16xi32>
      %or3A_176 = arith.ori %and3A_172, %and3A_175 : vector<16xi32>
      scf.yield %or3A_171, %or3A_176 : vector<16xi32>, vector<16xi32>
    }
    %scan3A_16 = arith.constant 1024 : i32
    %broadcast_in_dim3A_17 = arith.constant -1 : i32
    %broadcast_in_dim3A_18 = vector.broadcast %broadcast_in_dim3A_17 : i32 to vector<16xi32>
    %scan3A_19 = arith.constant 0 : i32
    %scan3A_20 = arith.constant 1024 : i32
    %scan3A_21 = arith.addi %scan3A_19, %scan3A_20 : i32
    %scan3A_22 = arith.constant 1 : i32
    %scan3A_23:2 = scf.for %scan3A_148 = %scan3A_19 to %scan3A_21 step %scan3A_22 iter_args(%scan3A_149 = %broadcast_in_dim3A_1, %scan3A_150 = %broadcast_in_dim3A_18) -> (vector<16xi32>, vector<16xi32>)  : i32 {
      %mul3A_151 = arith.constant 16 : i32
      %mul3A_152 = arith.muli %scan3A_148, %mul3A_151 : i32
      %get3A = arith.index_cast %mul3A_152 : i32 to index
      %get3A_153 = tpu.vector_load %arg5[%get3A] {strides = array<i32>} : memref<16384xi32, #tpu.memory_space<vmem>>, vector<16xi32>,
      %get3A_154 = vector.shape_cast %get3A_153 : vector<16xi32> to vector<16xi32>
      %add3A_155 = vector.broadcast %scan3A_148 : i32 to vector<16xi32>
      %add3A_156 = arith.addi %broadcast_in_dim3A_5, %add3A_155 : vector<16xi32>
      %lt3A = arith.cmpi slt, %get3A_154, %scan3A_15#0 : vector<16xi32>
      %select_n3A = arith.select %lt3A, %broadcast_in_dim3A_3, %broadcast_in_dim3A_5 : vector<16xi1>, vector<16xi32>
      %eq3A = arith.cmpi eq, %get3A_154, %scan3A_15#0 : vector<16xi32>
      %select_n3A_157 = arith.select %eq3A, %broadcast_in_dim3A_3, %broadcast_in_dim3A_5 : vector<16xi1>, vector<16xi32>
      %lt3A_158 = arith.cmpi slt, %add3A_156, %scan3A_15#1 : vector<16xi32>
      %select_n3A_159 = arith.select %lt3A_158, %broadcast_in_dim3A_3, %broadcast_in_dim3A_5 : vector<16xi1>, vector<16xi32>
      %and3A = arith.andi %select_n3A_157, %select_n3A_159 : vector<16xi32>
      %or3A = arith.ori %select_n3A, %and3A : vector<16xi32>
      %gt3A = arith.cmpi sgt, %get3A_154, %scan3A_149 : vector<16xi32>
      %select_n3A_160 = arith.select %gt3A, %broadcast_in_dim3A_3, %broadcast_in_dim3A_5 : vector<16xi1>, vector<16xi32>
      %eq3A_161 = arith.cmpi eq, %get3A_154, %scan3A_149 : vector<16xi32>
      %select_n3A_162 = arith.select %eq3A_161, %broadcast_in_dim3A_3, %broadcast_in_dim3A_5 : vector<16xi1>, vector<16xi32>
      %gt3A_163 = arith.cmpi sgt, %add3A_156, %scan3A_150 : vector<16xi32>
      %select_n3A_164 = arith.select %gt3A_163, %broadcast_in_dim3A_3, %broadcast_in_dim3A_5 : vector<16xi1>, vector<16xi32>
      %and3A_165 = arith.andi %select_n3A_162, %select_n3A_164 : vector<16xi32>
      %or3A_166 = arith.ori %select_n3A_160, %and3A_165 : vector<16xi32>
      %and3A_167 = arith.andi %or3A, %or3A_166 : vector<16xi32>
      %and3A_168 = arith.andi %get3A_154, %and3A_167 : vector<16xi32>
      %not3A = arith.constant dense<-1> : vector<16xi32>
      %not3A_169 = arith.xori %and3A_167, %not3A : vector<16xi32>
      %and3A_170 = arith.andi %scan3A_149, %not3A_169 : vector<16xi32>
      %or3A_171 = arith.ori %and3A_168, %and3A_170 : vector<16xi32>
      %and3A_172 = arith.andi %add3A_156, %and3A_167 : vector<16xi32>
      %not3A_173 = arith.constant dense<-1> : vector<16xi32>
      %not3A_174 = arith.xori %and3A_167, %not3A_173 : vector<16xi32>
      %and3A_175 = arith.andi %scan3A_150, %not3A_174 : vector<16xi32>
      %or3A_176 = arith.ori %and3A_172, %and3A_175 : vector<16xi32>
      scf.yield %or3A_171, %or3A_176 : vector<16xi32>, vector<16xi32>
    }
    %scan3A_24 = arith.constant 1024 : i32
    %broadcast_in_dim3A_25 = arith.constant -1 : i32
    %broadcast_in_dim3A_26 = vector.broadcast %broadcast_in_dim3A_25 : i32 to vector<16xi32>
    %scan3A_27 = arith.constant 0 : i32
    %scan3A_28 = arith.constant 1024 : i32
    %scan3A_29 = arith.addi %scan3A_27, %scan3A_28 : i32
    %scan3A_30 = arith.constant 1 : i32
    %scan3A_31:2 = scf.for %scan3A_148 = %scan3A_27 to %scan3A_29 step %scan3A_30 iter_args(%scan3A_149 = %broadcast_in_dim3A_1, %scan3A_150 = %broadcast_in_dim3A_26) -> (vector<16xi32>, vector<16xi32>)  : i32 {
      %mul3A_151 = arith.constant 16 : i32
      %mul3A_152 = arith.muli %scan3A_148, %mul3A_151 : i32
      %get3A = arith.index_cast %mul3A_152 : i32 to index
      %get3A_153 = tpu.vector_load %arg5[%get3A] {strides = array<i32>} : memref<16384xi32, #tpu.memory_space<vmem>>, vector<16xi32>,
      %get3A_154 = vector.shape_cast %get3A_153 : vector<16xi32> to vector<16xi32>
      %add3A_155 = vector.broadcast %scan3A_148 : i32 to vector<16xi32>
      %add3A_156 = arith.addi %broadcast_in_dim3A_5, %add3A_155 : vector<16xi32>
      %lt3A = arith.cmpi slt, %get3A_154, %scan3A_23#0 : vector<16xi32>
      %select_n3A = arith.select %lt3A, %broadcast_in_dim3A_3, %broadcast_in_dim3A_5 : vector<16xi1>, vector<16xi32>
      %eq3A = arith.cmpi eq, %get3A_154, %scan3A_23#0 : vector<16xi32>
      %select_n3A_157 = arith.select %eq3A, %broadcast_in_dim3A_3, %broadcast_in_dim3A_5 : vector<16xi1>, vector<16xi32>
      %lt3A_158 = arith.cmpi slt, %add3A_156, %scan3A_23#1 : vector<16xi32>
      %select_n3A_159 = arith.select %lt3A_158, %broadcast_in_dim3A_3, %broadcast_in_dim3A_5 : vector<16xi1>, vector<16xi32>
      %and3A = arith.andi %select_n3A_157, %select_n3A_159 : vector<16xi32>
      %or3A = arith.ori %select_n3A, %and3A : vector<16xi32>
      %gt3A = arith.cmpi sgt, %get3A_154, %scan3A_149 : vector<16xi32>
      %select_n3A_160 = arith.select %gt3A, %broadcast_in_dim3A_3, %broadcast_in_dim3A_5 : vector<16xi1>, vector<16xi32>
      %eq3A_161 = arith.cmpi eq, %get3A_154, %scan3A_149 : vector<16xi32>
      %select_n3A_162 = arith.select %eq3A_161, %broadcast_in_dim3A_3, %broadcast_in_dim3A_5 : vector<16xi1>, vector<16xi32>
      %gt3A_163 = arith.cmpi sgt, %add3A_156, %scan3A_150 : vector<16xi32>
      %select_n3A_164 = arith.select %gt3A_163, %broadcast_in_dim3A_3, %broadcast_in_dim3A_5 : vector<16xi1>, vector<16xi32>
      %and3A_165 = arith.andi %select_n3A_162, %select_n3A_164 : vector<16xi32>
      %or3A_166 = arith.ori %select_n3A_160, %and3A_165 : vector<16xi32>
      %and3A_167 = arith.andi %or3A, %or3A_166 : vector<16xi32>
      %and3A_168 = arith.andi %get3A_154, %and3A_167 : vector<16xi32>
      %not3A = arith.constant dense<-1> : vector<16xi32>
      %not3A_169 = arith.xori %and3A_167, %not3A : vector<16xi32>
      %and3A_170 = arith.andi %scan3A_149, %not3A_169 : vector<16xi32>
      %or3A_171 = arith.ori %and3A_168, %and3A_170 : vector<16xi32>
      %and3A_172 = arith.andi %add3A_156, %and3A_167 : vector<16xi32>
      %not3A_173 = arith.constant dense<-1> : vector<16xi32>
      %not3A_174 = arith.xori %and3A_167, %not3A_173 : vector<16xi32>
      %and3A_175 = arith.andi %scan3A_150, %not3A_174 : vector<16xi32>
      %or3A_176 = arith.ori %and3A_172, %and3A_175 : vector<16xi32>
      scf.yield %or3A_171, %or3A_176 : vector<16xi32>, vector<16xi32>
    }
    %scan3A_32 = arith.constant 1024 : i32
    %broadcast_in_dim3A_33 = arith.constant -1 : i32
    %broadcast_in_dim3A_34 = vector.broadcast %broadcast_in_dim3A_33 : i32 to vector<16xi32>
    %scan3A_35 = arith.constant 0 : i32
    %scan3A_36 = arith.constant 1024 : i32
    %scan3A_37 = arith.addi %scan3A_35, %scan3A_36 : i32
    %scan3A_38 = arith.constant 1 : i32
    %scan3A_39:2 = scf.for %scan3A_148 = %scan3A_35 to %scan3A_37 step %scan3A_38 iter_args(%scan3A_149 = %broadcast_in_dim3A_1, %scan3A_150 = %broadcast_in_dim3A_34) -> (vector<16xi32>, vector<16xi32>)  : i32 {
      %mul3A_151 = arith.constant 16 : i32
      %mul3A_152 = arith.muli %scan3A_148, %mul3A_151 : i32
      %get3A = arith.index_cast %mul3A_152 : i32 to index
      %get3A_153 = tpu.vector_load %arg5[%get3A] {strides = array<i32>} : memref<16384xi32, #tpu.memory_space<vmem>>, vector<16xi32>,
      %get3A_154 = vector.shape_cast %get3A_153 : vector<16xi32> to vector<16xi32>
      %add3A_155 = vector.broadcast %scan3A_148 : i32 to vector<16xi32>
      %add3A_156 = arith.addi %broadcast_in_dim3A_5, %add3A_155 : vector<16xi32>
      %lt3A = arith.cmpi slt, %get3A_154, %scan3A_31#0 : vector<16xi32>
      %select_n3A = arith.select %lt3A, %broadcast_in_dim3A_3, %broadcast_in_dim3A_5 : vector<16xi1>, vector<16xi32>
      %eq3A = arith.cmpi eq, %get3A_154, %scan3A_31#0 : vector<16xi32>
      %select_n3A_157 = arith.select %eq3A, %broadcast_in_dim3A_3, %broadcast_in_dim3A_5 : vector<16xi1>, vector<16xi32>
      %lt3A_158 = arith.cmpi slt, %add3A_156, %scan3A_31#1 : vector<16xi32>
      %select_n3A_159 = arith.select %lt3A_158, %broadcast_in_dim3A_3, %broadcast_in_dim3A_5 : vector<16xi1>, vector<16xi32>
      %and3A = arith.andi %select_n3A_157, %select_n3A_159 : vector<16xi32>
      %or3A = arith.ori %select_n3A, %and3A : vector<16xi32>
      %gt3A = arith.cmpi sgt, %get3A_154, %scan3A_149 : vector<16xi32>
      %select_n3A_160 = arith.select %gt3A, %broadcast_in_dim3A_3, %broadcast_in_dim3A_5 : vector<16xi1>, vector<16xi32>
      %eq3A_161 = arith.cmpi eq, %get3A_154, %scan3A_149 : vector<16xi32>
      %select_n3A_162 = arith.select %eq3A_161, %broadcast_in_dim3A_3, %broadcast_in_dim3A_5 : vector<16xi1>, vector<16xi32>
      %gt3A_163 = arith.cmpi sgt, %add3A_156, %scan3A_150 : vector<16xi32>
      %select_n3A_164 = arith.select %gt3A_163, %broadcast_in_dim3A_3, %broadcast_in_dim3A_5 : vector<16xi1>, vector<16xi32>
      %and3A_165 = arith.andi %select_n3A_162, %select_n3A_164 : vector<16xi32>
      %or3A_166 = arith.ori %select_n3A_160, %and3A_165 : vector<16xi32>
      %and3A_167 = arith.andi %or3A, %or3A_166 : vector<16xi32>
      %and3A_168 = arith.andi %get3A_154, %and3A_167 : vector<16xi32>
      %not3A = arith.constant dense<-1> : vector<16xi32>
      %not3A_169 = arith.xori %and3A_167, %not3A : vector<16xi32>
      %and3A_170 = arith.andi %scan3A_149, %not3A_169 : vector<16xi32>
      %or3A_171 = arith.ori %and3A_168, %and3A_170 : vector<16xi32>
      %and3A_172 = arith.andi %add3A_156, %and3A_167 : vector<16xi32>
      %not3A_173 = arith.constant dense<-1> : vector<16xi32>
      %not3A_174 = arith.xori %and3A_167, %not3A_173 : vector<16xi32>
      %and3A_175 = arith.andi %scan3A_150, %not3A_174 : vector<16xi32>
      %or3A_176 = arith.ori %and3A_172, %and3A_175 : vector<16xi32>
      scf.yield %or3A_171, %or3A_176 : vector<16xi32>, vector<16xi32>
    }
    %scan3A_40 = arith.constant 1024 : i32
    %broadcast_in_dim3A_41 = arith.constant -1 : i32
    %broadcast_in_dim3A_42 = vector.broadcast %broadcast_in_dim3A_41 : i32 to vector<16xi32>
    %scan3A_43 = arith.constant 0 : i32
    %scan3A_44 = arith.constant 1024 : i32
    %scan3A_45 = arith.addi %scan3A_43, %scan3A_44 : i32
    %scan3A_46 = arith.constant 1 : i32
    %scan3A_47:2 = scf.for %scan3A_148 = %scan3A_43 to %scan3A_45 step %scan3A_46 iter_args(%scan3A_149 = %broadcast_in_dim3A_1, %scan3A_150 = %broadcast_in_dim3A_42) -> (vector<16xi32>, vector<16xi32>)  : i32 {
      %mul3A_151 = arith.constant 16 : i32
      %mul3A_152 = arith.muli %scan3A_148, %mul3A_151 : i32
      %get3A = arith.index_cast %mul3A_152 : i32 to index
      %get3A_153 = tpu.vector_load %arg5[%get3A] {strides = array<i32>} : memref<16384xi32, #tpu.memory_space<vmem>>, vector<16xi32>,
      %get3A_154 = vector.shape_cast %get3A_153 : vector<16xi32> to vector<16xi32>
      %add3A_155 = vector.broadcast %scan3A_148 : i32 to vector<16xi32>
      %add3A_156 = arith.addi %broadcast_in_dim3A_5, %add3A_155 : vector<16xi32>
      %lt3A = arith.cmpi slt, %get3A_154, %scan3A_39#0 : vector<16xi32>
      %select_n3A = arith.select %lt3A, %broadcast_in_dim3A_3, %broadcast_in_dim3A_5 : vector<16xi1>, vector<16xi32>
      %eq3A = arith.cmpi eq, %get3A_154, %scan3A_39#0 : vector<16xi32>
      %select_n3A_157 = arith.select %eq3A, %broadcast_in_dim3A_3, %broadcast_in_dim3A_5 : vector<16xi1>, vector<16xi32>
      %lt3A_158 = arith.cmpi slt, %add3A_156, %scan3A_39#1 : vector<16xi32>
      %select_n3A_159 = arith.select %lt3A_158, %broadcast_in_dim3A_3, %broadcast_in_dim3A_5 : vector<16xi1>, vector<16xi32>
      %and3A = arith.andi %select_n3A_157, %select_n3A_159 : vector<16xi32>
      %or3A = arith.ori %select_n3A, %and3A : vector<16xi32>
      %gt3A = arith.cmpi sgt, %get3A_154, %scan3A_149 : vector<16xi32>
      %select_n3A_160 = arith.select %gt3A, %broadcast_in_dim3A_3, %broadcast_in_dim3A_5 : vector<16xi1>, vector<16xi32>
      %eq3A_161 = arith.cmpi eq, %get3A_154, %scan3A_149 : vector<16xi32>
      %select_n3A_162 = arith.select %eq3A_161, %broadcast_in_dim3A_3, %broadcast_in_dim3A_5 : vector<16xi1>, vector<16xi32>
      %gt3A_163 = arith.cmpi sgt, %add3A_156, %scan3A_150 : vector<16xi32>
      %select_n3A_164 = arith.select %gt3A_163, %broadcast_in_dim3A_3, %broadcast_in_dim3A_5 : vector<16xi1>, vector<16xi32>
      %and3A_165 = arith.andi %select_n3A_162, %select_n3A_164 : vector<16xi32>
      %or3A_166 = arith.ori %select_n3A_160, %and3A_165 : vector<16xi32>
      %and3A_167 = arith.andi %or3A, %or3A_166 : vector<16xi32>
      %and3A_168 = arith.andi %get3A_154, %and3A_167 : vector<16xi32>
      %not3A = arith.constant dense<-1> : vector<16xi32>
      %not3A_169 = arith.xori %and3A_167, %not3A : vector<16xi32>
      %and3A_170 = arith.andi %scan3A_149, %not3A_169 : vector<16xi32>
      %or3A_171 = arith.ori %and3A_168, %and3A_170 : vector<16xi32>
      %and3A_172 = arith.andi %add3A_156, %and3A_167 : vector<16xi32>
      %not3A_173 = arith.constant dense<-1> : vector<16xi32>
      %not3A_174 = arith.xori %and3A_167, %not3A_173 : vector<16xi32>
      %and3A_175 = arith.andi %scan3A_150, %not3A_174 : vector<16xi32>
      %or3A_176 = arith.ori %and3A_172, %and3A_175 : vector<16xi32>
      scf.yield %or3A_171, %or3A_176 : vector<16xi32>, vector<16xi32>
    }
    %scan3A_48 = arith.constant 1024 : i32
    %broadcast_in_dim3A_49 = arith.constant -1 : i32
    %broadcast_in_dim3A_50 = vector.broadcast %broadcast_in_dim3A_49 : i32 to vector<16xi32>
    %scan3A_51 = arith.constant 0 : i32
    %scan3A_52 = arith.constant 1024 : i32
    %scan3A_53 = arith.addi %scan3A_51, %scan3A_52 : i32
    %scan3A_54 = arith.constant 1 : i32
    %scan3A_55:2 = scf.for %scan3A_148 = %scan3A_51 to %scan3A_53 step %scan3A_54 iter_args(%scan3A_149 = %broadcast_in_dim3A_1, %scan3A_150 = %broadcast_in_dim3A_50) -> (vector<16xi32>, vector<16xi32>)  : i32 {
      %mul3A_151 = arith.constant 16 : i32
      %mul3A_152 = arith.muli %scan3A_148, %mul3A_151 : i32
      %get3A = arith.index_cast %mul3A_152 : i32 to index
      %get3A_153 = tpu.vector_load %arg5[%get3A] {strides = array<i32>} : memref<16384xi32, #tpu.memory_space<vmem>>, vector<16xi32>,
      %get3A_154 = vector.shape_cast %get3A_153 : vector<16xi32> to vector<16xi32>
      %add3A_155 = vector.broadcast %scan3A_148 : i32 to vector<16xi32>
      %add3A_156 = arith.addi %broadcast_in_dim3A_5, %add3A_155 : vector<16xi32>
      %lt3A = arith.cmpi slt, %get3A_154, %scan3A_47#0 : vector<16xi32>
      %select_n3A = arith.select %lt3A, %broadcast_in_dim3A_3, %broadcast_in_dim3A_5 : vector<16xi1>, vector<16xi32>
      %eq3A = arith.cmpi eq, %get3A_154, %scan3A_47#0 : vector<16xi32>
      %select_n3A_157 = arith.select %eq3A, %broadcast_in_dim3A_3, %broadcast_in_dim3A_5 : vector<16xi1>, vector<16xi32>
      %lt3A_158 = arith.cmpi slt, %add3A_156, %scan3A_47#1 : vector<16xi32>
      %select_n3A_159 = arith.select %lt3A_158, %broadcast_in_dim3A_3, %broadcast_in_dim3A_5 : vector<16xi1>, vector<16xi32>
      %and3A = arith.andi %select_n3A_157, %select_n3A_159 : vector<16xi32>
      %or3A = arith.ori %select_n3A, %and3A : vector<16xi32>
      %gt3A = arith.cmpi sgt, %get3A_154, %scan3A_149 : vector<16xi32>
      %select_n3A_160 = arith.select %gt3A, %broadcast_in_dim3A_3, %broadcast_in_dim3A_5 : vector<16xi1>, vector<16xi32>
      %eq3A_161 = arith.cmpi eq, %get3A_154, %scan3A_149 : vector<16xi32>
      %select_n3A_162 = arith.select %eq3A_161, %broadcast_in_dim3A_3, %broadcast_in_dim3A_5 : vector<16xi1>, vector<16xi32>
      %gt3A_163 = arith.cmpi sgt, %add3A_156, %scan3A_150 : vector<16xi32>
      %select_n3A_164 = arith.select %gt3A_163, %broadcast_in_dim3A_3, %broadcast_in_dim3A_5 : vector<16xi1>, vector<16xi32>
      %and3A_165 = arith.andi %select_n3A_162, %select_n3A_164 : vector<16xi32>
      %or3A_166 = arith.ori %select_n3A_160, %and3A_165 : vector<16xi32>
      %and3A_167 = arith.andi %or3A, %or3A_166 : vector<16xi32>
      %and3A_168 = arith.andi %get3A_154, %and3A_167 : vector<16xi32>
      %not3A = arith.constant dense<-1> : vector<16xi32>
      %not3A_169 = arith.xori %and3A_167, %not3A : vector<16xi32>
      %and3A_170 = arith.andi %scan3A_149, %not3A_169 : vector<16xi32>
      %or3A_171 = arith.ori %and3A_168, %and3A_170 : vector<16xi32>
      %and3A_172 = arith.andi %add3A_156, %and3A_167 : vector<16xi32>
      %not3A_173 = arith.constant dense<-1> : vector<16xi32>
      %not3A_174 = arith.xori %and3A_167, %not3A_173 : vector<16xi32>
      %and3A_175 = arith.andi %scan3A_150, %not3A_174 : vector<16xi32>
      %or3A_176 = arith.ori %and3A_172, %and3A_175 : vector<16xi32>
      scf.yield %or3A_171, %or3A_176 : vector<16xi32>, vector<16xi32>
    }
    %scan3A_56 = arith.constant 1024 : i32
    %broadcast_in_dim3A_57 = arith.constant -1 : i32
    %broadcast_in_dim3A_58 = vector.broadcast %broadcast_in_dim3A_57 : i32 to vector<16xi32>
    %scan3A_59 = arith.constant 0 : i32
    %scan3A_60 = arith.constant 1024 : i32
    %scan3A_61 = arith.addi %scan3A_59, %scan3A_60 : i32
    %scan3A_62 = arith.constant 1 : i32
    %scan3A_63:2 = scf.for %scan3A_148 = %scan3A_59 to %scan3A_61 step %scan3A_62 iter_args(%scan3A_149 = %broadcast_in_dim3A_1, %scan3A_150 = %broadcast_in_dim3A_58) -> (vector<16xi32>, vector<16xi32>)  : i32 {
      %mul3A_151 = arith.constant 16 : i32
      %mul3A_152 = arith.muli %scan3A_148, %mul3A_151 : i32
      %get3A = arith.index_cast %mul3A_152 : i32 to index
      %get3A_153 = tpu.vector_load %arg5[%get3A] {strides = array<i32>} : memref<16384xi32, #tpu.memory_space<vmem>>, vector<16xi32>,
      %get3A_154 = vector.shape_cast %get3A_153 : vector<16xi32> to vector<16xi32>
      %add3A_155 = vector.broadcast %scan3A_148 : i32 to vector<16xi32>
      %add3A_156 = arith.addi %broadcast_in_dim3A_5, %add3A_155 : vector<16xi32>
      %lt3A = arith.cmpi slt, %get3A_154, %scan3A_55#0 : vector<16xi32>
      %select_n3A = arith.select %lt3A, %broadcast_in_dim3A_3, %broadcast_in_dim3A_5 : vector<16xi1>, vector<16xi32>
      %eq3A = arith.cmpi eq, %get3A_154, %scan3A_55#0 : vector<16xi32>
      %select_n3A_157 = arith.select %eq3A, %broadcast_in_dim3A_3, %broadcast_in_dim3A_5 : vector<16xi1>, vector<16xi32>
      %lt3A_158 = arith.cmpi slt, %add3A_156, %scan3A_55#1 : vector<16xi32>
      %select_n3A_159 = arith.select %lt3A_158, %broadcast_in_dim3A_3, %broadcast_in_dim3A_5 : vector<16xi1>, vector<16xi32>
      %and3A = arith.andi %select_n3A_157, %select_n3A_159 : vector<16xi32>
      %or3A = arith.ori %select_n3A, %and3A : vector<16xi32>
      %gt3A = arith.cmpi sgt, %get3A_154, %scan3A_149 : vector<16xi32>
      %select_n3A_160 = arith.select %gt3A, %broadcast_in_dim3A_3, %broadcast_in_dim3A_5 : vector<16xi1>, vector<16xi32>
      %eq3A_161 = arith.cmpi eq, %get3A_154, %scan3A_149 : vector<16xi32>
      %select_n3A_162 = arith.select %eq3A_161, %broadcast_in_dim3A_3, %broadcast_in_dim3A_5 : vector<16xi1>, vector<16xi32>
      %gt3A_163 = arith.cmpi sgt, %add3A_156, %scan3A_150 : vector<16xi32>
      %select_n3A_164 = arith.select %gt3A_163, %broadcast_in_dim3A_3, %broadcast_in_dim3A_5 : vector<16xi1>, vector<16xi32>
      %and3A_165 = arith.andi %select_n3A_162, %select_n3A_164 : vector<16xi32>
      %or3A_166 = arith.ori %select_n3A_160, %and3A_165 : vector<16xi32>
      %and3A_167 = arith.andi %or3A, %or3A_166 : vector<16xi32>
      %and3A_168 = arith.andi %get3A_154, %and3A_167 : vector<16xi32>
      %not3A = arith.constant dense<-1> : vector<16xi32>
      %not3A_169 = arith.xori %and3A_167, %not3A : vector<16xi32>
      %and3A_170 = arith.andi %scan3A_149, %not3A_169 : vector<16xi32>
      %or3A_171 = arith.ori %and3A_168, %and3A_170 : vector<16xi32>
      %and3A_172 = arith.andi %add3A_156, %and3A_167 : vector<16xi32>
      %not3A_173 = arith.constant dense<-1> : vector<16xi32>
      %not3A_174 = arith.xori %and3A_167, %not3A_173 : vector<16xi32>
      %and3A_175 = arith.andi %scan3A_150, %not3A_174 : vector<16xi32>
      %or3A_176 = arith.ori %and3A_172, %and3A_175 : vector<16xi32>
      scf.yield %or3A_171, %or3A_176 : vector<16xi32>, vector<16xi32>
    }
    %scan3A_64 = arith.constant 1024 : i32
    %broadcast_in_dim3A_65 = arith.constant -1 : i32
    %broadcast_in_dim3A_66 = vector.broadcast %broadcast_in_dim3A_65 : i32 to vector<16xi32>
    %scan3A_67 = arith.constant 0 : i32
    %scan3A_68 = arith.constant 1024 : i32
    %scan3A_69 = arith.addi %scan3A_67, %scan3A_68 : i32
    %scan3A_70 = arith.constant 1 : i32
    %scan3A_71:2 = scf.for %scan3A_148 = %scan3A_67 to %scan3A_69 step %scan3A_70 iter_args(%scan3A_149 = %broadcast_in_dim3A_1, %scan3A_150 = %broadcast_in_dim3A_66) -> (vector<16xi32>, vector<16xi32>)  : i32 {
      %mul3A_151 = arith.constant 16 : i32
      %mul3A_152 = arith.muli %scan3A_148, %mul3A_151 : i32
      %get3A = arith.index_cast %mul3A_152 : i32 to index
      %get3A_153 = tpu.vector_load %arg5[%get3A] {strides = array<i32>} : memref<16384xi32, #tpu.memory_space<vmem>>, vector<16xi32>,
      %get3A_154 = vector.shape_cast %get3A_153 : vector<16xi32> to vector<16xi32>
      %add3A_155 = vector.broadcast %scan3A_148 : i32 to vector<16xi32>
      %add3A_156 = arith.addi %broadcast_in_dim3A_5, %add3A_155 : vector<16xi32>
      %lt3A = arith.cmpi slt, %get3A_154, %scan3A_63#0 : vector<16xi32>
      %select_n3A = arith.select %lt3A, %broadcast_in_dim3A_3, %broadcast_in_dim3A_5 : vector<16xi1>, vector<16xi32>
      %eq3A = arith.cmpi eq, %get3A_154, %scan3A_63#0 : vector<16xi32>
      %select_n3A_157 = arith.select %eq3A, %broadcast_in_dim3A_3, %broadcast_in_dim3A_5 : vector<16xi1>, vector<16xi32>
      %lt3A_158 = arith.cmpi slt, %add3A_156, %scan3A_63#1 : vector<16xi32>
      %select_n3A_159 = arith.select %lt3A_158, %broadcast_in_dim3A_3, %broadcast_in_dim3A_5 : vector<16xi1>, vector<16xi32>
      %and3A = arith.andi %select_n3A_157, %select_n3A_159 : vector<16xi32>
      %or3A = arith.ori %select_n3A, %and3A : vector<16xi32>
      %gt3A = arith.cmpi sgt, %get3A_154, %scan3A_149 : vector<16xi32>
      %select_n3A_160 = arith.select %gt3A, %broadcast_in_dim3A_3, %broadcast_in_dim3A_5 : vector<16xi1>, vector<16xi32>
      %eq3A_161 = arith.cmpi eq, %get3A_154, %scan3A_149 : vector<16xi32>
      %select_n3A_162 = arith.select %eq3A_161, %broadcast_in_dim3A_3, %broadcast_in_dim3A_5 : vector<16xi1>, vector<16xi32>
      %gt3A_163 = arith.cmpi sgt, %add3A_156, %scan3A_150 : vector<16xi32>
      %select_n3A_164 = arith.select %gt3A_163, %broadcast_in_dim3A_3, %broadcast_in_dim3A_5 : vector<16xi1>, vector<16xi32>
      %and3A_165 = arith.andi %select_n3A_162, %select_n3A_164 : vector<16xi32>
      %or3A_166 = arith.ori %select_n3A_160, %and3A_165 : vector<16xi32>
      %and3A_167 = arith.andi %or3A, %or3A_166 : vector<16xi32>
      %and3A_168 = arith.andi %get3A_154, %and3A_167 : vector<16xi32>
      %not3A = arith.constant dense<-1> : vector<16xi32>
      %not3A_169 = arith.xori %and3A_167, %not3A : vector<16xi32>
      %and3A_170 = arith.andi %scan3A_149, %not3A_169 : vector<16xi32>
      %or3A_171 = arith.ori %and3A_168, %and3A_170 : vector<16xi32>
      %and3A_172 = arith.andi %add3A_156, %and3A_167 : vector<16xi32>
      %not3A_173 = arith.constant dense<-1> : vector<16xi32>
      %not3A_174 = arith.xori %and3A_167, %not3A_173 : vector<16xi32>
      %and3A_175 = arith.andi %scan3A_150, %not3A_174 : vector<16xi32>
      %or3A_176 = arith.ori %and3A_172, %and3A_175 : vector<16xi32>
      scf.yield %or3A_171, %or3A_176 : vector<16xi32>, vector<16xi32>
    }
    %scan3A_72 = arith.constant 1024 : i32
    %broadcast_in_dim3A_73 = arith.constant -1 : i32
    %broadcast_in_dim3A_74 = vector.broadcast %broadcast_in_dim3A_73 : i32 to vector<16xi32>
    %scan3A_75 = arith.constant 0 : i32
    %scan3A_76 = arith.constant 1024 : i32
    %scan3A_77 = arith.addi %scan3A_75, %scan3A_76 : i32
    %scan3A_78 = arith.constant 1 : i32
    %scan3A_79:2 = scf.for %scan3A_148 = %scan3A_75 to %scan3A_77 step %scan3A_78 iter_args(%scan3A_149 = %broadcast_in_dim3A_1, %scan3A_150 = %broadcast_in_dim3A_74) -> (vector<16xi32>, vector<16xi32>)  : i32 {
      %mul3A_151 = arith.constant 16 : i32
      %mul3A_152 = arith.muli %scan3A_148, %mul3A_151 : i32
      %get3A = arith.index_cast %mul3A_152 : i32 to index
      %get3A_153 = tpu.vector_load %arg5[%get3A] {strides = array<i32>} : memref<16384xi32, #tpu.memory_space<vmem>>, vector<16xi32>,
      %get3A_154 = vector.shape_cast %get3A_153 : vector<16xi32> to vector<16xi32>
      %add3A_155 = vector.broadcast %scan3A_148 : i32 to vector<16xi32>
      %add3A_156 = arith.addi %broadcast_in_dim3A_5, %add3A_155 : vector<16xi32>
      %lt3A = arith.cmpi slt, %get3A_154, %scan3A_71#0 : vector<16xi32>
      %select_n3A = arith.select %lt3A, %broadcast_in_dim3A_3, %broadcast_in_dim3A_5 : vector<16xi1>, vector<16xi32>
      %eq3A = arith.cmpi eq, %get3A_154, %scan3A_71#0 : vector<16xi32>
      %select_n3A_157 = arith.select %eq3A, %broadcast_in_dim3A_3, %broadcast_in_dim3A_5 : vector<16xi1>, vector<16xi32>
      %lt3A_158 = arith.cmpi slt, %add3A_156, %scan3A_71#1 : vector<16xi32>
      %select_n3A_159 = arith.select %lt3A_158, %broadcast_in_dim3A_3, %broadcast_in_dim3A_5 : vector<16xi1>, vector<16xi32>
      %and3A = arith.andi %select_n3A_157, %select_n3A_159 : vector<16xi32>
      %or3A = arith.ori %select_n3A, %and3A : vector<16xi32>
      %gt3A = arith.cmpi sgt, %get3A_154, %scan3A_149 : vector<16xi32>
      %select_n3A_160 = arith.select %gt3A, %broadcast_in_dim3A_3, %broadcast_in_dim3A_5 : vector<16xi1>, vector<16xi32>
      %eq3A_161 = arith.cmpi eq, %get3A_154, %scan3A_149 : vector<16xi32>
      %select_n3A_162 = arith.select %eq3A_161, %broadcast_in_dim3A_3, %broadcast_in_dim3A_5 : vector<16xi1>, vector<16xi32>
      %gt3A_163 = arith.cmpi sgt, %add3A_156, %scan3A_150 : vector<16xi32>
      %select_n3A_164 = arith.select %gt3A_163, %broadcast_in_dim3A_3, %broadcast_in_dim3A_5 : vector<16xi1>, vector<16xi32>
      %and3A_165 = arith.andi %select_n3A_162, %select_n3A_164 : vector<16xi32>
      %or3A_166 = arith.ori %select_n3A_160, %and3A_165 : vector<16xi32>
      %and3A_167 = arith.andi %or3A, %or3A_166 : vector<16xi32>
      %and3A_168 = arith.andi %get3A_154, %and3A_167 : vector<16xi32>
      %not3A = arith.constant dense<-1> : vector<16xi32>
      %not3A_169 = arith.xori %and3A_167, %not3A : vector<16xi32>
      %and3A_170 = arith.andi %scan3A_149, %not3A_169 : vector<16xi32>
      %or3A_171 = arith.ori %and3A_168, %and3A_170 : vector<16xi32>
      %and3A_172 = arith.andi %add3A_156, %and3A_167 : vector<16xi32>
      %not3A_173 = arith.constant dense<-1> : vector<16xi32>
      %not3A_174 = arith.xori %and3A_167, %not3A_173 : vector<16xi32>
      %and3A_175 = arith.andi %scan3A_150, %not3A_174 : vector<16xi32>
      %or3A_176 = arith.ori %and3A_172, %and3A_175 : vector<16xi32>
      scf.yield %or3A_171, %or3A_176 : vector<16xi32>, vector<16xi32>
    }
    %scan3A_80 = arith.constant 1024 : i32
    %broadcast_in_dim3A_81 = arith.constant -1 : i32
    %broadcast_in_dim3A_82 = vector.broadcast %broadcast_in_dim3A_81 : i32 to vector<16xi32>
    %scan3A_83 = arith.constant 0 : i32
    %scan3A_84 = arith.constant 1024 : i32
    %scan3A_85 = arith.addi %scan3A_83, %scan3A_84 : i32
    %scan3A_86 = arith.constant 1 : i32
    %scan3A_87:2 = scf.for %scan3A_148 = %scan3A_83 to %scan3A_85 step %scan3A_86 iter_args(%scan3A_149 = %broadcast_in_dim3A_1, %scan3A_150 = %broadcast_in_dim3A_82) -> (vector<16xi32>, vector<16xi32>)  : i32 {
      %mul3A_151 = arith.constant 16 : i32
      %mul3A_152 = arith.muli %scan3A_148, %mul3A_151 : i32
      %get3A = arith.index_cast %mul3A_152 : i32 to index
      %get3A_153 = tpu.vector_load %arg5[%get3A] {strides = array<i32>} : memref<16384xi32, #tpu.memory_space<vmem>>, vector<16xi32>,
      %get3A_154 = vector.shape_cast %get3A_153 : vector<16xi32> to vector<16xi32>
      %add3A_155 = vector.broadcast %scan3A_148 : i32 to vector<16xi32>
      %add3A_156 = arith.addi %broadcast_in_dim3A_5, %add3A_155 : vector<16xi32>
      %lt3A = arith.cmpi slt, %get3A_154, %scan3A_79#0 : vector<16xi32>
      %select_n3A = arith.select %lt3A, %broadcast_in_dim3A_3, %broadcast_in_dim3A_5 : vector<16xi1>, vector<16xi32>
      %eq3A = arith.cmpi eq, %get3A_154, %scan3A_79#0 : vector<16xi32>
      %select_n3A_157 = arith.select %eq3A, %broadcast_in_dim3A_3, %broadcast_in_dim3A_5 : vector<16xi1>, vector<16xi32>
      %lt3A_158 = arith.cmpi slt, %add3A_156, %scan3A_79#1 : vector<16xi32>
      %select_n3A_159 = arith.select %lt3A_158, %broadcast_in_dim3A_3, %broadcast_in_dim3A_5 : vector<16xi1>, vector<16xi32>
      %and3A = arith.andi %select_n3A_157, %select_n3A_159 : vector<16xi32>
      %or3A = arith.ori %select_n3A, %and3A : vector<16xi32>
      %gt3A = arith.cmpi sgt, %get3A_154, %scan3A_149 : vector<16xi32>
      %select_n3A_160 = arith.select %gt3A, %broadcast_in_dim3A_3, %broadcast_in_dim3A_5 : vector<16xi1>, vector<16xi32>
      %eq3A_161 = arith.cmpi eq, %get3A_154, %scan3A_149 : vector<16xi32>
      %select_n3A_162 = arith.select %eq3A_161, %broadcast_in_dim3A_3, %broadcast_in_dim3A_5 : vector<16xi1>, vector<16xi32>
      %gt3A_163 = arith.cmpi sgt, %add3A_156, %scan3A_150 : vector<16xi32>
      %select_n3A_164 = arith.select %gt3A_163, %broadcast_in_dim3A_3, %broadcast_in_dim3A_5 : vector<16xi1>, vector<16xi32>
      %and3A_165 = arith.andi %select_n3A_162, %select_n3A_164 : vector<16xi32>
      %or3A_166 = arith.ori %select_n3A_160, %and3A_165 : vector<16xi32>
      %and3A_167 = arith.andi %or3A, %or3A_166 : vector<16xi32>
      %and3A_168 = arith.andi %get3A_154, %and3A_167 : vector<16xi32>
      %not3A = arith.constant dense<-1> : vector<16xi32>
      %not3A_169 = arith.xori %and3A_167, %not3A : vector<16xi32>
      %and3A_170 = arith.andi %scan3A_149, %not3A_169 : vector<16xi32>
      %or3A_171 = arith.ori %and3A_168, %and3A_170 : vector<16xi32>
      %and3A_172 = arith.andi %add3A_156, %and3A_167 : vector<16xi32>
      %not3A_173 = arith.constant dense<-1> : vector<16xi32>
      %not3A_174 = arith.xori %and3A_167, %not3A_173 : vector<16xi32>
      %and3A_175 = arith.andi %scan3A_150, %not3A_174 : vector<16xi32>
      %or3A_176 = arith.ori %and3A_172, %and3A_175 : vector<16xi32>
      scf.yield %or3A_171, %or3A_176 : vector<16xi32>, vector<16xi32>
    }
    %scan3A_88 = arith.constant 1024 : i32
    %broadcast_in_dim3A_89 = arith.constant -1 : i32
    %broadcast_in_dim3A_90 = vector.broadcast %broadcast_in_dim3A_89 : i32 to vector<16xi32>
    %scan3A_91 = arith.constant 0 : i32
    %scan3A_92 = arith.constant 1024 : i32
    %scan3A_93 = arith.addi %scan3A_91, %scan3A_92 : i32
    %scan3A_94 = arith.constant 1 : i32
    %scan3A_95:2 = scf.for %scan3A_148 = %scan3A_91 to %scan3A_93 step %scan3A_94 iter_args(%scan3A_149 = %broadcast_in_dim3A_1, %scan3A_150 = %broadcast_in_dim3A_90) -> (vector<16xi32>, vector<16xi32>)  : i32 {
      %mul3A_151 = arith.constant 16 : i32
      %mul3A_152 = arith.muli %scan3A_148, %mul3A_151 : i32
      %get3A = arith.index_cast %mul3A_152 : i32 to index
      %get3A_153 = tpu.vector_load %arg5[%get3A] {strides = array<i32>} : memref<16384xi32, #tpu.memory_space<vmem>>, vector<16xi32>,
      %get3A_154 = vector.shape_cast %get3A_153 : vector<16xi32> to vector<16xi32>
      %add3A_155 = vector.broadcast %scan3A_148 : i32 to vector<16xi32>
      %add3A_156 = arith.addi %broadcast_in_dim3A_5, %add3A_155 : vector<16xi32>
      %lt3A = arith.cmpi slt, %get3A_154, %scan3A_87#0 : vector<16xi32>
      %select_n3A = arith.select %lt3A, %broadcast_in_dim3A_3, %broadcast_in_dim3A_5 : vector<16xi1>, vector<16xi32>
      %eq3A = arith.cmpi eq, %get3A_154, %scan3A_87#0 : vector<16xi32>
      %select_n3A_157 = arith.select %eq3A, %broadcast_in_dim3A_3, %broadcast_in_dim3A_5 : vector<16xi1>, vector<16xi32>
      %lt3A_158 = arith.cmpi slt, %add3A_156, %scan3A_87#1 : vector<16xi32>
      %select_n3A_159 = arith.select %lt3A_158, %broadcast_in_dim3A_3, %broadcast_in_dim3A_5 : vector<16xi1>, vector<16xi32>
      %and3A = arith.andi %select_n3A_157, %select_n3A_159 : vector<16xi32>
      %or3A = arith.ori %select_n3A, %and3A : vector<16xi32>
      %gt3A = arith.cmpi sgt, %get3A_154, %scan3A_149 : vector<16xi32>
      %select_n3A_160 = arith.select %gt3A, %broadcast_in_dim3A_3, %broadcast_in_dim3A_5 : vector<16xi1>, vector<16xi32>
      %eq3A_161 = arith.cmpi eq, %get3A_154, %scan3A_149 : vector<16xi32>
      %select_n3A_162 = arith.select %eq3A_161, %broadcast_in_dim3A_3, %broadcast_in_dim3A_5 : vector<16xi1>, vector<16xi32>
      %gt3A_163 = arith.cmpi sgt, %add3A_156, %scan3A_150 : vector<16xi32>
      %select_n3A_164 = arith.select %gt3A_163, %broadcast_in_dim3A_3, %broadcast_in_dim3A_5 : vector<16xi1>, vector<16xi32>
      %and3A_165 = arith.andi %select_n3A_162, %select_n3A_164 : vector<16xi32>
      %or3A_166 = arith.ori %select_n3A_160, %and3A_165 : vector<16xi32>
      %and3A_167 = arith.andi %or3A, %or3A_166 : vector<16xi32>
      %and3A_168 = arith.andi %get3A_154, %and3A_167 : vector<16xi32>
      %not3A = arith.constant dense<-1> : vector<16xi32>
      %not3A_169 = arith.xori %and3A_167, %not3A : vector<16xi32>
      %and3A_170 = arith.andi %scan3A_149, %not3A_169 : vector<16xi32>
      %or3A_171 = arith.ori %and3A_168, %and3A_170 : vector<16xi32>
      %and3A_172 = arith.andi %add3A_156, %and3A_167 : vector<16xi32>
      %not3A_173 = arith.constant dense<-1> : vector<16xi32>
      %not3A_174 = arith.xori %and3A_167, %not3A_173 : vector<16xi32>
      %and3A_175 = arith.andi %scan3A_150, %not3A_174 : vector<16xi32>
      %or3A_176 = arith.ori %and3A_172, %and3A_175 : vector<16xi32>
      scf.yield %or3A_171, %or3A_176 : vector<16xi32>, vector<16xi32>
    }
    %scan3A_96 = arith.constant 1024 : i32
    %broadcast_in_dim3A_97 = arith.constant -1 : i32
    %broadcast_in_dim3A_98 = vector.broadcast %broadcast_in_dim3A_97 : i32 to vector<16xi32>
    %scan3A_99 = arith.constant 0 : i32
    %scan3A_100 = arith.constant 1024 : i32
    %scan3A_101 = arith.addi %scan3A_99, %scan3A_100 : i32
    %scan3A_102 = arith.constant 1 : i32
    %scan3A_103:2 = scf.for %scan3A_148 = %scan3A_99 to %scan3A_101 step %scan3A_102 iter_args(%scan3A_149 = %broadcast_in_dim3A_1, %scan3A_150 = %broadcast_in_dim3A_98) -> (vector<16xi32>, vector<16xi32>)  : i32 {
      %mul3A_151 = arith.constant 16 : i32
      %mul3A_152 = arith.muli %scan3A_148, %mul3A_151 : i32
      %get3A = arith.index_cast %mul3A_152 : i32 to index
      %get3A_153 = tpu.vector_load %arg5[%get3A] {strides = array<i32>} : memref<16384xi32, #tpu.memory_space<vmem>>, vector<16xi32>,
      %get3A_154 = vector.shape_cast %get3A_153 : vector<16xi32> to vector<16xi32>
      %add3A_155 = vector.broadcast %scan3A_148 : i32 to vector<16xi32>
      %add3A_156 = arith.addi %broadcast_in_dim3A_5, %add3A_155 : vector<16xi32>
      %lt3A = arith.cmpi slt, %get3A_154, %scan3A_95#0 : vector<16xi32>
      %select_n3A = arith.select %lt3A, %broadcast_in_dim3A_3, %broadcast_in_dim3A_5 : vector<16xi1>, vector<16xi32>
      %eq3A = arith.cmpi eq, %get3A_154, %scan3A_95#0 : vector<16xi32>
      %select_n3A_157 = arith.select %eq3A, %broadcast_in_dim3A_3, %broadcast_in_dim3A_5 : vector<16xi1>, vector<16xi32>
      %lt3A_158 = arith.cmpi slt, %add3A_156, %scan3A_95#1 : vector<16xi32>
      %select_n3A_159 = arith.select %lt3A_158, %broadcast_in_dim3A_3, %broadcast_in_dim3A_5 : vector<16xi1>, vector<16xi32>
      %and3A = arith.andi %select_n3A_157, %select_n3A_159 : vector<16xi32>
      %or3A = arith.ori %select_n3A, %and3A : vector<16xi32>
      %gt3A = arith.cmpi sgt, %get3A_154, %scan3A_149 : vector<16xi32>
      %select_n3A_160 = arith.select %gt3A, %broadcast_in_dim3A_3, %broadcast_in_dim3A_5 : vector<16xi1>, vector<16xi32>
      %eq3A_161 = arith.cmpi eq, %get3A_154, %scan3A_149 : vector<16xi32>
      %select_n3A_162 = arith.select %eq3A_161, %broadcast_in_dim3A_3, %broadcast_in_dim3A_5 : vector<16xi1>, vector<16xi32>
      %gt3A_163 = arith.cmpi sgt, %add3A_156, %scan3A_150 : vector<16xi32>
      %select_n3A_164 = arith.select %gt3A_163, %broadcast_in_dim3A_3, %broadcast_in_dim3A_5 : vector<16xi1>, vector<16xi32>
      %and3A_165 = arith.andi %select_n3A_162, %select_n3A_164 : vector<16xi32>
      %or3A_166 = arith.ori %select_n3A_160, %and3A_165 : vector<16xi32>
      %and3A_167 = arith.andi %or3A, %or3A_166 : vector<16xi32>
      %and3A_168 = arith.andi %get3A_154, %and3A_167 : vector<16xi32>
      %not3A = arith.constant dense<-1> : vector<16xi32>
      %not3A_169 = arith.xori %and3A_167, %not3A : vector<16xi32>
      %and3A_170 = arith.andi %scan3A_149, %not3A_169 : vector<16xi32>
      %or3A_171 = arith.ori %and3A_168, %and3A_170 : vector<16xi32>
      %and3A_172 = arith.andi %add3A_156, %and3A_167 : vector<16xi32>
      %not3A_173 = arith.constant dense<-1> : vector<16xi32>
      %not3A_174 = arith.xori %and3A_167, %not3A_173 : vector<16xi32>
      %and3A_175 = arith.andi %scan3A_150, %not3A_174 : vector<16xi32>
      %or3A_176 = arith.ori %and3A_172, %and3A_175 : vector<16xi32>
      scf.yield %or3A_171, %or3A_176 : vector<16xi32>, vector<16xi32>
    }
    %scan3A_104 = arith.constant 1024 : i32
    %broadcast_in_dim3A_105 = arith.constant -1 : i32
    %broadcast_in_dim3A_106 = vector.broadcast %broadcast_in_dim3A_105 : i32 to vector<16xi32>
    %scan3A_107 = arith.constant 0 : i32
    %scan3A_108 = arith.constant 1024 : i32
    %scan3A_109 = arith.addi %scan3A_107, %scan3A_108 : i32
    %scan3A_110 = arith.constant 1 : i32
    %scan3A_111:2 = scf.for %scan3A_148 = %scan3A_107 to %scan3A_109 step %scan3A_110 iter_args(%scan3A_149 = %broadcast_in_dim3A_1, %scan3A_150 = %broadcast_in_dim3A_106) -> (vector<16xi32>, vector<16xi32>)  : i32 {
      %mul3A_151 = arith.constant 16 : i32
      %mul3A_152 = arith.muli %scan3A_148, %mul3A_151 : i32
      %get3A = arith.index_cast %mul3A_152 : i32 to index
      %get3A_153 = tpu.vector_load %arg5[%get3A] {strides = array<i32>} : memref<16384xi32, #tpu.memory_space<vmem>>, vector<16xi32>,
      %get3A_154 = vector.shape_cast %get3A_153 : vector<16xi32> to vector<16xi32>
      %add3A_155 = vector.broadcast %scan3A_148 : i32 to vector<16xi32>
      %add3A_156 = arith.addi %broadcast_in_dim3A_5, %add3A_155 : vector<16xi32>
      %lt3A = arith.cmpi slt, %get3A_154, %scan3A_103#0 : vector<16xi32>
      %select_n3A = arith.select %lt3A, %broadcast_in_dim3A_3, %broadcast_in_dim3A_5 : vector<16xi1>, vector<16xi32>
      %eq3A = arith.cmpi eq, %get3A_154, %scan3A_103#0 : vector<16xi32>
      %select_n3A_157 = arith.select %eq3A, %broadcast_in_dim3A_3, %broadcast_in_dim3A_5 : vector<16xi1>, vector<16xi32>
      %lt3A_158 = arith.cmpi slt, %add3A_156, %scan3A_103#1 : vector<16xi32>
      %select_n3A_159 = arith.select %lt3A_158, %broadcast_in_dim3A_3, %broadcast_in_dim3A_5 : vector<16xi1>, vector<16xi32>
      %and3A = arith.andi %select_n3A_157, %select_n3A_159 : vector<16xi32>
      %or3A = arith.ori %select_n3A, %and3A : vector<16xi32>
      %gt3A = arith.cmpi sgt, %get3A_154, %scan3A_149 : vector<16xi32>
      %select_n3A_160 = arith.select %gt3A, %broadcast_in_dim3A_3, %broadcast_in_dim3A_5 : vector<16xi1>, vector<16xi32>
      %eq3A_161 = arith.cmpi eq, %get3A_154, %scan3A_149 : vector<16xi32>
      %select_n3A_162 = arith.select %eq3A_161, %broadcast_in_dim3A_3, %broadcast_in_dim3A_5 : vector<16xi1>, vector<16xi32>
      %gt3A_163 = arith.cmpi sgt, %add3A_156, %scan3A_150 : vector<16xi32>
      %select_n3A_164 = arith.select %gt3A_163, %broadcast_in_dim3A_3, %broadcast_in_dim3A_5 : vector<16xi1>, vector<16xi32>
      %and3A_165 = arith.andi %select_n3A_162, %select_n3A_164 : vector<16xi32>
      %or3A_166 = arith.ori %select_n3A_160, %and3A_165 : vector<16xi32>
      %and3A_167 = arith.andi %or3A, %or3A_166 : vector<16xi32>
      %and3A_168 = arith.andi %get3A_154, %and3A_167 : vector<16xi32>
      %not3A = arith.constant dense<-1> : vector<16xi32>
      %not3A_169 = arith.xori %and3A_167, %not3A : vector<16xi32>
      %and3A_170 = arith.andi %scan3A_149, %not3A_169 : vector<16xi32>
      %or3A_171 = arith.ori %and3A_168, %and3A_170 : vector<16xi32>
      %and3A_172 = arith.andi %add3A_156, %and3A_167 : vector<16xi32>
      %not3A_173 = arith.constant dense<-1> : vector<16xi32>
      %not3A_174 = arith.xori %and3A_167, %not3A_173 : vector<16xi32>
      %and3A_175 = arith.andi %scan3A_150, %not3A_174 : vector<16xi32>
      %or3A_176 = arith.ori %and3A_172, %and3A_175 : vector<16xi32>
      scf.yield %or3A_171, %or3A_176 : vector<16xi32>, vector<16xi32>
    }
    %scan3A_112 = arith.constant 1024 : i32
    %broadcast_in_dim3A_113 = arith.constant -1 : i32
    %broadcast_in_dim3A_114 = vector.broadcast %broadcast_in_dim3A_113 : i32 to vector<16xi32>
    %scan3A_115 = arith.constant 0 : i32
    %scan3A_116 = arith.constant 1024 : i32
    %scan3A_117 = arith.addi %scan3A_115, %scan3A_116 : i32
    %scan3A_118 = arith.constant 1 : i32
    %scan3A_119:2 = scf.for %scan3A_148 = %scan3A_115 to %scan3A_117 step %scan3A_118 iter_args(%scan3A_149 = %broadcast_in_dim3A_1, %scan3A_150 = %broadcast_in_dim3A_114) -> (vector<16xi32>, vector<16xi32>)  : i32 {
      %mul3A_151 = arith.constant 16 : i32
      %mul3A_152 = arith.muli %scan3A_148, %mul3A_151 : i32
      %get3A = arith.index_cast %mul3A_152 : i32 to index
      %get3A_153 = tpu.vector_load %arg5[%get3A] {strides = array<i32>} : memref<16384xi32, #tpu.memory_space<vmem>>, vector<16xi32>,
      %get3A_154 = vector.shape_cast %get3A_153 : vector<16xi32> to vector<16xi32>
      %add3A_155 = vector.broadcast %scan3A_148 : i32 to vector<16xi32>
      %add3A_156 = arith.addi %broadcast_in_dim3A_5, %add3A_155 : vector<16xi32>
      %lt3A = arith.cmpi slt, %get3A_154, %scan3A_111#0 : vector<16xi32>
      %select_n3A = arith.select %lt3A, %broadcast_in_dim3A_3, %broadcast_in_dim3A_5 : vector<16xi1>, vector<16xi32>
      %eq3A = arith.cmpi eq, %get3A_154, %scan3A_111#0 : vector<16xi32>
      %select_n3A_157 = arith.select %eq3A, %broadcast_in_dim3A_3, %broadcast_in_dim3A_5 : vector<16xi1>, vector<16xi32>
      %lt3A_158 = arith.cmpi slt, %add3A_156, %scan3A_111#1 : vector<16xi32>
      %select_n3A_159 = arith.select %lt3A_158, %broadcast_in_dim3A_3, %broadcast_in_dim3A_5 : vector<16xi1>, vector<16xi32>
      %and3A = arith.andi %select_n3A_157, %select_n3A_159 : vector<16xi32>
      %or3A = arith.ori %select_n3A, %and3A : vector<16xi32>
      %gt3A = arith.cmpi sgt, %get3A_154, %scan3A_149 : vector<16xi32>
      %select_n3A_160 = arith.select %gt3A, %broadcast_in_dim3A_3, %broadcast_in_dim3A_5 : vector<16xi1>, vector<16xi32>
      %eq3A_161 = arith.cmpi eq, %get3A_154, %scan3A_149 : vector<16xi32>
      %select_n3A_162 = arith.select %eq3A_161, %broadcast_in_dim3A_3, %broadcast_in_dim3A_5 : vector<16xi1>, vector<16xi32>
      %gt3A_163 = arith.cmpi sgt, %add3A_156, %scan3A_150 : vector<16xi32>
      %select_n3A_164 = arith.select %gt3A_163, %broadcast_in_dim3A_3, %broadcast_in_dim3A_5 : vector<16xi1>, vector<16xi32>
      %and3A_165 = arith.andi %select_n3A_162, %select_n3A_164 : vector<16xi32>
      %or3A_166 = arith.ori %select_n3A_160, %and3A_165 : vector<16xi32>
      %and3A_167 = arith.andi %or3A, %or3A_166 : vector<16xi32>
      %and3A_168 = arith.andi %get3A_154, %and3A_167 : vector<16xi32>
      %not3A = arith.constant dense<-1> : vector<16xi32>
      %not3A_169 = arith.xori %and3A_167, %not3A : vector<16xi32>
      %and3A_170 = arith.andi %scan3A_149, %not3A_169 : vector<16xi32>
      %or3A_171 = arith.ori %and3A_168, %and3A_170 : vector<16xi32>
      %and3A_172 = arith.andi %add3A_156, %and3A_167 : vector<16xi32>
      %not3A_173 = arith.constant dense<-1> : vector<16xi32>
      %not3A_174 = arith.xori %and3A_167, %not3A_173 : vector<16xi32>
      %and3A_175 = arith.andi %scan3A_150, %not3A_174 : vector<16xi32>
      %or3A_176 = arith.ori %and3A_172, %and3A_175 : vector<16xi32>
      scf.yield %or3A_171, %or3A_176 : vector<16xi32>, vector<16xi32>
    }
    %scan3A_120 = arith.constant 1024 : i32
    %broadcast_in_dim3A_121 = arith.constant -1 : i32
    %broadcast_in_dim3A_122 = vector.broadcast %broadcast_in_dim3A_121 : i32 to vector<16xi32>
    %scan3A_123 = arith.constant 0 : i32
    %scan3A_124 = arith.constant 1024 : i32
    %scan3A_125 = arith.addi %scan3A_123, %scan3A_124 : i32
    %scan3A_126 = arith.constant 1 : i32
    %scan3A_127:2 = scf.for %scan3A_148 = %scan3A_123 to %scan3A_125 step %scan3A_126 iter_args(%scan3A_149 = %broadcast_in_dim3A_1, %scan3A_150 = %broadcast_in_dim3A_122) -> (vector<16xi32>, vector<16xi32>)  : i32 {
      %mul3A_151 = arith.constant 16 : i32
      %mul3A_152 = arith.muli %scan3A_148, %mul3A_151 : i32
      %get3A = arith.index_cast %mul3A_152 : i32 to index
      %get3A_153 = tpu.vector_load %arg5[%get3A] {strides = array<i32>} : memref<16384xi32, #tpu.memory_space<vmem>>, vector<16xi32>,
      %get3A_154 = vector.shape_cast %get3A_153 : vector<16xi32> to vector<16xi32>
      %add3A_155 = vector.broadcast %scan3A_148 : i32 to vector<16xi32>
      %add3A_156 = arith.addi %broadcast_in_dim3A_5, %add3A_155 : vector<16xi32>
      %lt3A = arith.cmpi slt, %get3A_154, %scan3A_119#0 : vector<16xi32>
      %select_n3A = arith.select %lt3A, %broadcast_in_dim3A_3, %broadcast_in_dim3A_5 : vector<16xi1>, vector<16xi32>
      %eq3A = arith.cmpi eq, %get3A_154, %scan3A_119#0 : vector<16xi32>
      %select_n3A_157 = arith.select %eq3A, %broadcast_in_dim3A_3, %broadcast_in_dim3A_5 : vector<16xi1>, vector<16xi32>
      %lt3A_158 = arith.cmpi slt, %add3A_156, %scan3A_119#1 : vector<16xi32>
      %select_n3A_159 = arith.select %lt3A_158, %broadcast_in_dim3A_3, %broadcast_in_dim3A_5 : vector<16xi1>, vector<16xi32>
      %and3A = arith.andi %select_n3A_157, %select_n3A_159 : vector<16xi32>
      %or3A = arith.ori %select_n3A, %and3A : vector<16xi32>
      %gt3A = arith.cmpi sgt, %get3A_154, %scan3A_149 : vector<16xi32>
      %select_n3A_160 = arith.select %gt3A, %broadcast_in_dim3A_3, %broadcast_in_dim3A_5 : vector<16xi1>, vector<16xi32>
      %eq3A_161 = arith.cmpi eq, %get3A_154, %scan3A_149 : vector<16xi32>
      %select_n3A_162 = arith.select %eq3A_161, %broadcast_in_dim3A_3, %broadcast_in_dim3A_5 : vector<16xi1>, vector<16xi32>
      %gt3A_163 = arith.cmpi sgt, %add3A_156, %scan3A_150 : vector<16xi32>
      %select_n3A_164 = arith.select %gt3A_163, %broadcast_in_dim3A_3, %broadcast_in_dim3A_5 : vector<16xi1>, vector<16xi32>
      %and3A_165 = arith.andi %select_n3A_162, %select_n3A_164 : vector<16xi32>
      %or3A_166 = arith.ori %select_n3A_160, %and3A_165 : vector<16xi32>
      %and3A_167 = arith.andi %or3A, %or3A_166 : vector<16xi32>
      %and3A_168 = arith.andi %get3A_154, %and3A_167 : vector<16xi32>
      %not3A = arith.constant dense<-1> : vector<16xi32>
      %not3A_169 = arith.xori %and3A_167, %not3A : vector<16xi32>
      %and3A_170 = arith.andi %scan3A_149, %not3A_169 : vector<16xi32>
      %or3A_171 = arith.ori %and3A_168, %and3A_170 : vector<16xi32>
      %and3A_172 = arith.andi %add3A_156, %and3A_167 : vector<16xi32>
      %not3A_173 = arith.constant dense<-1> : vector<16xi32>
      %not3A_174 = arith.xori %and3A_167, %not3A_173 : vector<16xi32>
      %and3A_175 = arith.andi %scan3A_150, %not3A_174 : vector<16xi32>
      %or3A_176 = arith.ori %and3A_172, %and3A_175 : vector<16xi32>
      scf.yield %or3A_171, %or3A_176 : vector<16xi32>, vector<16xi32>
    }
    %scan3A_128 = arith.constant 1024 : i32
    %broadcast_in_dim3A_129 = arith.constant -1 : i32
    %broadcast_in_dim3A_130 = vector.broadcast %broadcast_in_dim3A_129 : i32 to vector<16xi32>
    %scan3A_131 = arith.constant 0 : i32
    %scan3A_132 = arith.constant 1024 : i32
    %scan3A_133 = arith.addi %scan3A_131, %scan3A_132 : i32
    %scan3A_134 = arith.constant 1 : i32
    %scan3A_135:2 = scf.for %scan3A_148 = %scan3A_131 to %scan3A_133 step %scan3A_134 iter_args(%scan3A_149 = %broadcast_in_dim3A_1, %scan3A_150 = %broadcast_in_dim3A_130) -> (vector<16xi32>, vector<16xi32>)  : i32 {
      %mul3A_151 = arith.constant 16 : i32
      %mul3A_152 = arith.muli %scan3A_148, %mul3A_151 : i32
      %get3A = arith.index_cast %mul3A_152 : i32 to index
      %get3A_153 = tpu.vector_load %arg5[%get3A] {strides = array<i32>} : memref<16384xi32, #tpu.memory_space<vmem>>, vector<16xi32>,
      %get3A_154 = vector.shape_cast %get3A_153 : vector<16xi32> to vector<16xi32>
      %add3A_155 = vector.broadcast %scan3A_148 : i32 to vector<16xi32>
      %add3A_156 = arith.addi %broadcast_in_dim3A_5, %add3A_155 : vector<16xi32>
      %lt3A = arith.cmpi slt, %get3A_154, %scan3A_127#0 : vector<16xi32>
      %select_n3A = arith.select %lt3A, %broadcast_in_dim3A_3, %broadcast_in_dim3A_5 : vector<16xi1>, vector<16xi32>
      %eq3A = arith.cmpi eq, %get3A_154, %scan3A_127#0 : vector<16xi32>
      %select_n3A_157 = arith.select %eq3A, %broadcast_in_dim3A_3, %broadcast_in_dim3A_5 : vector<16xi1>, vector<16xi32>
      %lt3A_158 = arith.cmpi slt, %add3A_156, %scan3A_127#1 : vector<16xi32>
      %select_n3A_159 = arith.select %lt3A_158, %broadcast_in_dim3A_3, %broadcast_in_dim3A_5 : vector<16xi1>, vector<16xi32>
      %and3A = arith.andi %select_n3A_157, %select_n3A_159 : vector<16xi32>
      %or3A = arith.ori %select_n3A, %and3A : vector<16xi32>
      %gt3A = arith.cmpi sgt, %get3A_154, %scan3A_149 : vector<16xi32>
      %select_n3A_160 = arith.select %gt3A, %broadcast_in_dim3A_3, %broadcast_in_dim3A_5 : vector<16xi1>, vector<16xi32>
      %eq3A_161 = arith.cmpi eq, %get3A_154, %scan3A_149 : vector<16xi32>
      %select_n3A_162 = arith.select %eq3A_161, %broadcast_in_dim3A_3, %broadcast_in_dim3A_5 : vector<16xi1>, vector<16xi32>
      %gt3A_163 = arith.cmpi sgt, %add3A_156, %scan3A_150 : vector<16xi32>
      %select_n3A_164 = arith.select %gt3A_163, %broadcast_in_dim3A_3, %broadcast_in_dim3A_5 : vector<16xi1>, vector<16xi32>
      %and3A_165 = arith.andi %select_n3A_162, %select_n3A_164 : vector<16xi32>
      %or3A_166 = arith.ori %select_n3A_160, %and3A_165 : vector<16xi32>
      %and3A_167 = arith.andi %or3A, %or3A_166 : vector<16xi32>
      %and3A_168 = arith.andi %get3A_154, %and3A_167 : vector<16xi32>
      %not3A = arith.constant dense<-1> : vector<16xi32>
      %not3A_169 = arith.xori %and3A_167, %not3A : vector<16xi32>
      %and3A_170 = arith.andi %scan3A_149, %not3A_169 : vector<16xi32>
      %or3A_171 = arith.ori %and3A_168, %and3A_170 : vector<16xi32>
      %and3A_172 = arith.andi %add3A_156, %and3A_167 : vector<16xi32>
      %not3A_173 = arith.constant dense<-1> : vector<16xi32>
      %not3A_174 = arith.xori %and3A_167, %not3A_173 : vector<16xi32>
      %and3A_175 = arith.andi %scan3A_150, %not3A_174 : vector<16xi32>
      %or3A_176 = arith.ori %and3A_172, %and3A_175 : vector<16xi32>
      scf.yield %or3A_171, %or3A_176 : vector<16xi32>, vector<16xi32>
    }
    %scan3A_136 = arith.constant 1024 : i32
    %broadcast_in_dim3A_137 = arith.constant 0 : i32
    %broadcast_in_dim3A_138 = vector.broadcast %broadcast_in_dim3A_137 : i32 to vector<16xi32>
    %scan3A_139 = arith.constant 0 : i32
    %scan3A_140 = arith.constant 1024 : i32
    %scan3A_141 = arith.addi %scan3A_139, %scan3A_140 : i32
    %scan3A_142 = arith.constant 1 : i32
    %scan3A_143 = scf.for %scan3A_148 = %scan3A_139 to %scan3A_141 step %scan3A_142 iter_args(%scan3A_149 = %broadcast_in_dim3A_138) -> (vector<16xi32>)  : i32 {
      %mul3A_150 = arith.constant 16 : i32
      %mul3A_151 = arith.muli %scan3A_148, %mul3A_150 : i32
      %get3A = arith.index_cast %mul3A_151 : i32 to index
      %get3A_152 = tpu.vector_load %arg6[%get3A] {strides = array<i32>} : memref<16384xi32, #tpu.memory_space<vmem>>, vector<16xi32>,
      %get3A_153 = vector.shape_cast %get3A_152 : vector<16xi32> to vector<16xi32>
      %add3A_154 = vector.broadcast %scan3A_148 : i32 to vector<16xi32>
      %add3A_155 = arith.addi %broadcast_in_dim3A_5, %add3A_154 : vector<16xi32>
      %eq3A = arith.cmpi eq, %add3A_155, %scan3A_135#1 : vector<16xi32>
      %select_n3A = arith.select %eq3A, %broadcast_in_dim3A_3, %broadcast_in_dim3A_5 : vector<16xi1>, vector<16xi32>
      %and3A = arith.andi %get3A_153, %select_n3A : vector<16xi32>
      %not3A = arith.constant dense<-1> : vector<16xi32>
      %not3A_156 = arith.xori %select_n3A, %not3A : vector<16xi32>
      %and3A_157 = arith.andi %scan3A_149, %not3A_156 : vector<16xi32>
      %or3A = arith.ori %and3A, %and3A_157 : vector<16xi32>
      scf.yield %or3A : vector<16xi32>
    }
    %scan3A_144 = arith.constant 1024 : i32
    %swap3A = arith.constant 0 : index
    %swap3A_145 = tpu.vector_load %arg7[%swap3A] {strides = array<i32>} : memref<16xi32, #tpu.memory_space<vmem>>, vector<16xi32>,
    %swap3A_146 = vector.shape_cast %swap3A_145 : vector<16xi32> to vector<16xi32>
    %swap3A_147 = vector.shape_cast %scan3A_143 : vector<16xi32> to vector<16xi32>
    tpu.vector_store %arg7[%swap3A], %swap3A_147 {strides = array<i32>} : memref<16xi32, #tpu.memory_space<vmem>>, vector<16xi32>,
    "tpu.region"() ({
      %run_scoped3A = tpu.sem_alloc : memref<!tpu.dma_semaphore, #tpu.memory_space<semaphore_mem>>
      %dma_start3A = arith.constant 0 : i32
      %dma_start3A_148 = tpu.memref_slice %arg4[%add3A, %dma_start3A] : memref<32x16xi32, #tpu.memory_space<hbm>> -> memref<1x16xi32, #tpu.memory_space<hbm>>
      %dma_start3A_149 = tpu.memref_squeeze %dma_start3A_148 : memref<1x16xi32, #tpu.memory_space<hbm>> -> memref<16xi32, #tpu.memory_space<hbm>>
      %dma_start3A_150 = arith.constant 0 : i32
      %dma_start3A_151 = tpu.memref_slice %arg4[%add3A, %dma_start3A_150] : memref<32x16xi32, #tpu.memory_space<hbm>> -> memref<1x16xi32, #tpu.memory_space<hbm>>
      %dma_start3A_152 = tpu.memref_squeeze %dma_start3A_151 : memref<1x16xi32, #tpu.memory_space<hbm>> -> memref<16xi32, #tpu.memory_space<hbm>>
      tpu.enqueue_dma source(%arg7 : memref<16xi32, #tpu.memory_space<vmem>>) target(%dma_start3A_152 : memref<16xi32, #tpu.memory_space<hbm>>) target_semaphore(%run_scoped3A : memref<!tpu.dma_semaphore, #tpu.memory_space<semaphore_mem>>)
      %dma_wait3A = arith.constant 0 : i32
      %dma_wait3A_153 = tpu.memref_slice %arg4[%add3A, %dma_wait3A] : memref<32x16xi32, #tpu.memory_space<hbm>> -> memref<1x16xi32, #tpu.memory_space<hbm>>
      %dma_wait3A_154 = tpu.memref_squeeze %dma_wait3A_153 : memref<1x16xi32, #tpu.memory_space<hbm>> -> memref<16xi32, #tpu.memory_space<hbm>>
      %dma_wait3A_155 = arith.constant 0 : i32
      %dma_wait3A_156 = tpu.memref_slice %arg4[%add3A, %dma_wait3A_155] : memref<32x16xi32, #tpu.memory_space<hbm>> -> memref<1x16xi32, #tpu.memory_space<hbm>>
      %dma_wait3A_157 = tpu.memref_squeeze %dma_wait3A_156 : memref<1x16xi32, #tpu.memory_space<hbm>> -> memref<16xi32, #tpu.memory_space<hbm>>
      tpu.wait_dma2 semaphore(%run_scoped3A : memref<!tpu.dma_semaphore, #tpu.memory_space<semaphore_mem>>) src(%arg7 : memref<16xi32, #tpu.memory_space<vmem>>) dst(%dma_wait3A_157 : memref<16xi32, #tpu.memory_space<hbm>>)
      tpu.yield
    }) : () -> ()
    return
  }
}

module attributes {stable_mosaic.version = 14 : i64} {
  func.func @_cem_tc_kernel(%arg0: i32, %arg1: memref<128x512xf32, #tpu.memory_space<vmem>>, %arg2: memref<128x128xf32, #tpu.memory_space<vmem>>, %arg3: memref<128x16xf32, #tpu.memory_space<vmem>>, %arg4: memref<128x1xf32, #tpu.memory_space<vmem>>, %arg5: memref<1x128xf32, #tpu.memory_space<vmem>>, %arg6: memref<32x512xf32, #tpu.memory_space<vmem>>, %arg7: memref<32x512xf32, #tpu.memory_space<vmem>>) attributes {dimension_semantics = [#tpu.dimension_semantics<arbitrary>], iteration_bounds = array<i64: 32>, scalar_prefetch = 0 : i64, scratch_operands = 0 : i64, tpu.core_type = #tpu.core_type<tc>, window_params = [{pipeline_mode = #tpu.pipeline_mode<synchronous>, transform_indices = @transform_0, window_bounds = array<i64: 128, 512>}, {pipeline_mode = #tpu.pipeline_mode<synchronous>, transform_indices = @transform_1, window_bounds = array<i64: 128, 128>}, {pipeline_mode = #tpu.pipeline_mode<synchronous>, transform_indices = @transform_2, window_bounds = array<i64: 128, 16>}, {pipeline_mode = #tpu.pipeline_mode<synchronous>, transform_indices = @transform_3, window_bounds = array<i64: 128, 1>}, {pipeline_mode = #tpu.pipeline_mode<synchronous>, transform_indices = @transform_4, window_bounds = array<i64: 1, 128>}, {transform_indices = @transform_5, window_bounds = array<i64: 32, 512>}, {transform_indices = @transform_6, window_bounds = array<i64: 32, 512>}]} {
    %iota3A = tpu.iota {dimensions = array<i32: 1>} : vector<16x16384xi32>
    %iota3A_0 = tpu.iota {dimensions = array<i32: 0>} : vector<16x16384xi32>
    %mul3A = arith.constant 16384 : i32
    %mul3A_1 = arith.muli %arg0, %mul3A : i32
    %mul3A_2 = arith.constant 16 : i32
    %mul3A_3 = arith.muli %mul3A_1, %mul3A_2 : i32
    %shift_right_logical3A = arith.constant 9 : i32
    %shift_right_logical3A_4 = vector.broadcast %shift_right_logical3A : i32 to vector<16x16384xi32>
    %shift_right_logical3A_5 = arith.shrui %iota3A, %shift_right_logical3A_4 : vector<16x16384xi32>
    %shift_left3A = arith.constant 13 : i32
    %shift_left3A_6 = vector.broadcast %shift_left3A : i32 to vector<16x16384xi32>
    %shift_left3A_7 = arith.shli %shift_right_logical3A_5, %shift_left3A_6 : vector<16x16384xi32>
    %add3A = vector.broadcast %mul3A_3 : i32 to vector<16x16384xi32>
    %add3A_8 = arith.addi %add3A, %shift_left3A_7 : vector<16x16384xi32>
    %and3A = arith.constant 511 : i32
    %and3A_9 = vector.broadcast %and3A : i32 to vector<16x16384xi32>
    %and3A_10 = arith.andi %iota3A, %and3A_9 : vector<16x16384xi32>
    %shift_left3A_11 = arith.constant 4 : i32
    %shift_left3A_12 = vector.broadcast %shift_left3A_11 : i32 to vector<16x16384xi32>
    %shift_left3A_13 = arith.shli %and3A_10, %shift_left3A_12 : vector<16x16384xi32>
    %add3A_14 = arith.addi %add3A_8, %shift_left3A_13 : vector<16x16384xi32>
    %add3A_15 = arith.addi %add3A_14, %iota3A_0 : vector<16x16384xi32>
    %broadcast_in_dim3A = arith.constant 0 : i32
    %broadcast_in_dim3A_16 = vector.broadcast %broadcast_in_dim3A : i32 to vector<16x16384xi32>
    %add3A_17 = arith.constant 0 : i32
    %add3A_18 = vector.broadcast %add3A_17 : i32 to vector<16x16384xi32>
    %add3A_19 = arith.addi %broadcast_in_dim3A_16, %add3A_18 : vector<16x16384xi32>
    %add3A_20 = arith.constant 12345 : i32
    %add3A_21 = vector.broadcast %add3A_20 : i32 to vector<16x16384xi32>
    %add3A_22 = arith.addi %add3A_15, %add3A_21 : vector<16x16384xi32>
    %add3A_23 = arith.addi %add3A_19, %add3A_22 : vector<16x16384xi32>
    %shift_left3A_24 = arith.constant 13 : i32
    %shift_left3A_25 = vector.broadcast %shift_left3A_24 : i32 to vector<16x16384xi32>
    %shift_left3A_26 = arith.shli %add3A_22, %shift_left3A_25 : vector<16x16384xi32>
    %shift_right_logical3A_27 = arith.constant 19 : i32
    %shift_right_logical3A_28 = vector.broadcast %shift_right_logical3A_27 : i32 to vector<16x16384xi32>
    %shift_right_logical3A_29 = arith.shrui %add3A_22, %shift_right_logical3A_28 : vector<16x16384xi32>
    %or3A = arith.ori %shift_left3A_26, %shift_right_logical3A_29 : vector<16x16384xi32>
    %xor3A = arith.xori %add3A_23, %or3A : vector<16x16384xi32>
    %add3A_30 = arith.addi %add3A_23, %xor3A : vector<16x16384xi32>
    %shift_left3A_31 = arith.constant 15 : i32
    %shift_left3A_32 = vector.broadcast %shift_left3A_31 : i32 to vector<16x16384xi32>
    %shift_left3A_33 = arith.shli %xor3A, %shift_left3A_32 : vector<16x16384xi32>
    %shift_right_logical3A_34 = arith.constant 17 : i32
    %shift_right_logical3A_35 = vector.broadcast %shift_right_logical3A_34 : i32 to vector<16x16384xi32>
    %shift_right_logical3A_36 = arith.shrui %xor3A, %shift_right_logical3A_35 : vector<16x16384xi32>
    %or3A_37 = arith.ori %shift_left3A_33, %shift_right_logical3A_36 : vector<16x16384xi32>
    %xor3A_38 = arith.xori %add3A_30, %or3A_37 : vector<16x16384xi32>
    %add3A_39 = arith.addi %add3A_30, %xor3A_38 : vector<16x16384xi32>
    %shift_left3A_40 = arith.constant 26 : i32
    %shift_left3A_41 = vector.broadcast %shift_left3A_40 : i32 to vector<16x16384xi32>
    %shift_left3A_42 = arith.shli %xor3A_38, %shift_left3A_41 : vector<16x16384xi32>
    %shift_right_logical3A_43 = arith.constant 6 : i32
    %shift_right_logical3A_44 = vector.broadcast %shift_right_logical3A_43 : i32 to vector<16x16384xi32>
    %shift_right_logical3A_45 = arith.shrui %xor3A_38, %shift_right_logical3A_44 : vector<16x16384xi32>
    %or3A_46 = arith.ori %shift_left3A_42, %shift_right_logical3A_45 : vector<16x16384xi32>
    %xor3A_47 = arith.xori %add3A_39, %or3A_46 : vector<16x16384xi32>
    %add3A_48 = arith.addi %add3A_39, %xor3A_47 : vector<16x16384xi32>
    %shift_left3A_49 = arith.constant 6 : i32
    %shift_left3A_50 = vector.broadcast %shift_left3A_49 : i32 to vector<16x16384xi32>
    %shift_left3A_51 = arith.shli %xor3A_47, %shift_left3A_50 : vector<16x16384xi32>
    %shift_right_logical3A_52 = arith.constant 26 : i32
    %shift_right_logical3A_53 = vector.broadcast %shift_right_logical3A_52 : i32 to vector<16x16384xi32>
    %shift_right_logical3A_54 = arith.shrui %xor3A_47, %shift_right_logical3A_53 : vector<16x16384xi32>
    %or3A_55 = arith.ori %shift_left3A_51, %shift_right_logical3A_54 : vector<16x16384xi32>
    %xor3A_56 = arith.xori %add3A_48, %or3A_55 : vector<16x16384xi32>
    %add3A_57 = arith.constant 12345 : i32
    %add3A_58 = vector.broadcast %add3A_57 : i32 to vector<16x16384xi32>
    %add3A_59 = arith.addi %add3A_48, %add3A_58 : vector<16x16384xi32>
    %add3A_60 = arith.constant 466693091 : i32
    %add3A_61 = vector.broadcast %add3A_60 : i32 to vector<16x16384xi32>
    %add3A_62 = arith.addi %xor3A_56, %add3A_61 : vector<16x16384xi32>
    %add3A_63 = arith.constant 1 : i32
    %add3A_64 = vector.broadcast %add3A_63 : i32 to vector<16x16384xi32>
    %add3A_65 = arith.addi %add3A_62, %add3A_64 : vector<16x16384xi32>
    %add3A_66 = arith.addi %add3A_59, %add3A_65 : vector<16x16384xi32>
    %shift_left3A_67 = arith.constant 17 : i32
    %shift_left3A_68 = vector.broadcast %shift_left3A_67 : i32 to vector<16x16384xi32>
    %shift_left3A_69 = arith.shli %add3A_65, %shift_left3A_68 : vector<16x16384xi32>
    %shift_right_logical3A_70 = arith.constant 15 : i32
    %shift_right_logical3A_71 = vector.broadcast %shift_right_logical3A_70 : i32 to vector<16x16384xi32>
    %shift_right_logical3A_72 = arith.shrui %add3A_65, %shift_right_logical3A_71 : vector<16x16384xi32>
    %or3A_73 = arith.ori %shift_left3A_69, %shift_right_logical3A_72 : vector<16x16384xi32>
    %xor3A_74 = arith.xori %add3A_66, %or3A_73 : vector<16x16384xi32>
    %add3A_75 = arith.addi %add3A_66, %xor3A_74 : vector<16x16384xi32>
    %shift_left3A_76 = arith.constant 29 : i32
    %shift_left3A_77 = vector.broadcast %shift_left3A_76 : i32 to vector<16x16384xi32>
    %shift_left3A_78 = arith.shli %xor3A_74, %shift_left3A_77 : vector<16x16384xi32>
    %shift_right_logical3A_79 = arith.constant 3 : i32
    %shift_right_logical3A_80 = vector.broadcast %shift_right_logical3A_79 : i32 to vector<16x16384xi32>
    %shift_right_logical3A_81 = arith.shrui %xor3A_74, %shift_right_logical3A_80 : vector<16x16384xi32>
    %or3A_82 = arith.ori %shift_left3A_78, %shift_right_logical3A_81 : vector<16x16384xi32>
    %xor3A_83 = arith.xori %add3A_75, %or3A_82 : vector<16x16384xi32>
    %add3A_84 = arith.addi %add3A_75, %xor3A_83 : vector<16x16384xi32>
    %shift_left3A_85 = arith.constant 16 : i32
    %shift_left3A_86 = vector.broadcast %shift_left3A_85 : i32 to vector<16x16384xi32>
    %shift_left3A_87 = arith.shli %xor3A_83, %shift_left3A_86 : vector<16x16384xi32>
    %shift_right_logical3A_88 = arith.constant 16 : i32
    %shift_right_logical3A_89 = vector.broadcast %shift_right_logical3A_88 : i32 to vector<16x16384xi32>
    %shift_right_logical3A_90 = arith.shrui %xor3A_83, %shift_right_logical3A_89 : vector<16x16384xi32>
    %or3A_91 = arith.ori %shift_left3A_87, %shift_right_logical3A_90 : vector<16x16384xi32>
    %xor3A_92 = arith.xori %add3A_84, %or3A_91 : vector<16x16384xi32>
    %add3A_93 = arith.addi %add3A_84, %xor3A_92 : vector<16x16384xi32>
    %shift_left3A_94 = arith.constant 24 : i32
    %shift_left3A_95 = vector.broadcast %shift_left3A_94 : i32 to vector<16x16384xi32>
    %shift_left3A_96 = arith.shli %xor3A_92, %shift_left3A_95 : vector<16x16384xi32>
    %shift_right_logical3A_97 = arith.constant 8 : i32
    %shift_right_logical3A_98 = vector.broadcast %shift_right_logical3A_97 : i32 to vector<16x16384xi32>
    %shift_right_logical3A_99 = arith.shrui %xor3A_92, %shift_right_logical3A_98 : vector<16x16384xi32>
    %or3A_100 = arith.ori %shift_left3A_96, %shift_right_logical3A_99 : vector<16x16384xi32>
    %xor3A_101 = arith.xori %add3A_93, %or3A_100 : vector<16x16384xi32>
    %add3A_102 = arith.constant 466693091 : i32
    %add3A_103 = vector.broadcast %add3A_102 : i32 to vector<16x16384xi32>
    %add3A_104 = arith.addi %add3A_93, %add3A_103 : vector<16x16384xi32>
    %add3A_105 = arith.constant 0 : i32
    %add3A_106 = vector.broadcast %add3A_105 : i32 to vector<16x16384xi32>
    %add3A_107 = arith.addi %xor3A_101, %add3A_106 : vector<16x16384xi32>
    %add3A_108 = arith.constant 2 : i32
    %add3A_109 = vector.broadcast %add3A_108 : i32 to vector<16x16384xi32>
    %add3A_110 = arith.addi %add3A_107, %add3A_109 : vector<16x16384xi32>
    %add3A_111 = arith.addi %add3A_104, %add3A_110 : vector<16x16384xi32>
    %shift_left3A_112 = arith.constant 13 : i32
    %shift_left3A_113 = vector.broadcast %shift_left3A_112 : i32 to vector<16x16384xi32>
    %shift_left3A_114 = arith.shli %add3A_110, %shift_left3A_113 : vector<16x16384xi32>
    %shift_right_logical3A_115 = arith.constant 19 : i32
    %shift_right_logical3A_116 = vector.broadcast %shift_right_logical3A_115 : i32 to vector<16x16384xi32>
    %shift_right_logical3A_117 = arith.shrui %add3A_110, %shift_right_logical3A_116 : vector<16x16384xi32>
    %or3A_118 = arith.ori %shift_left3A_114, %shift_right_logical3A_117 : vector<16x16384xi32>
    %xor3A_119 = arith.xori %add3A_111, %or3A_118 : vector<16x16384xi32>
    %add3A_120 = arith.addi %add3A_111, %xor3A_119 : vector<16x16384xi32>
    %shift_left3A_121 = arith.constant 15 : i32
    %shift_left3A_122 = vector.broadcast %shift_left3A_121 : i32 to vector<16x16384xi32>
    %shift_left3A_123 = arith.shli %xor3A_119, %shift_left3A_122 : vector<16x16384xi32>
    %shift_right_logical3A_124 = arith.constant 17 : i32
    %shift_right_logical3A_125 = vector.broadcast %shift_right_logical3A_124 : i32 to vector<16x16384xi32>
    %shift_right_logical3A_126 = arith.shrui %xor3A_119, %shift_right_logical3A_125 : vector<16x16384xi32>
    %or3A_127 = arith.ori %shift_left3A_123, %shift_right_logical3A_126 : vector<16x16384xi32>
    %xor3A_128 = arith.xori %add3A_120, %or3A_127 : vector<16x16384xi32>
    %add3A_129 = arith.addi %add3A_120, %xor3A_128 : vector<16x16384xi32>
    %shift_left3A_130 = arith.constant 26 : i32
    %shift_left3A_131 = vector.broadcast %shift_left3A_130 : i32 to vector<16x16384xi32>
    %shift_left3A_132 = arith.shli %xor3A_128, %shift_left3A_131 : vector<16x16384xi32>
    %shift_right_logical3A_133 = arith.constant 6 : i32
    %shift_right_logical3A_134 = vector.broadcast %shift_right_logical3A_133 : i32 to vector<16x16384xi32>
    %shift_right_logical3A_135 = arith.shrui %xor3A_128, %shift_right_logical3A_134 : vector<16x16384xi32>
    %or3A_136 = arith.ori %shift_left3A_132, %shift_right_logical3A_135 : vector<16x16384xi32>
    %xor3A_137 = arith.xori %add3A_129, %or3A_136 : vector<16x16384xi32>
    %add3A_138 = arith.addi %add3A_129, %xor3A_137 : vector<16x16384xi32>
    %shift_left3A_139 = arith.constant 6 : i32
    %shift_left3A_140 = vector.broadcast %shift_left3A_139 : i32 to vector<16x16384xi32>
    %shift_left3A_141 = arith.shli %xor3A_137, %shift_left3A_140 : vector<16x16384xi32>
    %shift_right_logical3A_142 = arith.constant 26 : i32
    %shift_right_logical3A_143 = vector.broadcast %shift_right_logical3A_142 : i32 to vector<16x16384xi32>
    %shift_right_logical3A_144 = arith.shrui %xor3A_137, %shift_right_logical3A_143 : vector<16x16384xi32>
    %or3A_145 = arith.ori %shift_left3A_141, %shift_right_logical3A_144 : vector<16x16384xi32>
    %xor3A_146 = arith.xori %add3A_138, %or3A_145 : vector<16x16384xi32>
    %add3A_147 = arith.constant 0 : i32
    %add3A_148 = vector.broadcast %add3A_147 : i32 to vector<16x16384xi32>
    %add3A_149 = arith.addi %add3A_138, %add3A_148 : vector<16x16384xi32>
    %add3A_150 = arith.constant 12345 : i32
    %add3A_151 = vector.broadcast %add3A_150 : i32 to vector<16x16384xi32>
    %add3A_152 = arith.addi %xor3A_146, %add3A_151 : vector<16x16384xi32>
    %add3A_153 = arith.constant 3 : i32
    %add3A_154 = vector.broadcast %add3A_153 : i32 to vector<16x16384xi32>
    %add3A_155 = arith.addi %add3A_152, %add3A_154 : vector<16x16384xi32>
    %add3A_156 = arith.addi %add3A_149, %add3A_155 : vector<16x16384xi32>
    %shift_left3A_157 = arith.constant 17 : i32
    %shift_left3A_158 = vector.broadcast %shift_left3A_157 : i32 to vector<16x16384xi32>
    %shift_left3A_159 = arith.shli %add3A_155, %shift_left3A_158 : vector<16x16384xi32>
    %shift_right_logical3A_160 = arith.constant 15 : i32
    %shift_right_logical3A_161 = vector.broadcast %shift_right_logical3A_160 : i32 to vector<16x16384xi32>
    %shift_right_logical3A_162 = arith.shrui %add3A_155, %shift_right_logical3A_161 : vector<16x16384xi32>
    %or3A_163 = arith.ori %shift_left3A_159, %shift_right_logical3A_162 : vector<16x16384xi32>
    %xor3A_164 = arith.xori %add3A_156, %or3A_163 : vector<16x16384xi32>
    %add3A_165 = arith.addi %add3A_156, %xor3A_164 : vector<16x16384xi32>
    %shift_left3A_166 = arith.constant 29 : i32
    %shift_left3A_167 = vector.broadcast %shift_left3A_166 : i32 to vector<16x16384xi32>
    %shift_left3A_168 = arith.shli %xor3A_164, %shift_left3A_167 : vector<16x16384xi32>
    %shift_right_logical3A_169 = arith.constant 3 : i32
    %shift_right_logical3A_170 = vector.broadcast %shift_right_logical3A_169 : i32 to vector<16x16384xi32>
    %shift_right_logical3A_171 = arith.shrui %xor3A_164, %shift_right_logical3A_170 : vector<16x16384xi32>
    %or3A_172 = arith.ori %shift_left3A_168, %shift_right_logical3A_171 : vector<16x16384xi32>
    %xor3A_173 = arith.xori %add3A_165, %or3A_172 : vector<16x16384xi32>
    %add3A_174 = arith.addi %add3A_165, %xor3A_173 : vector<16x16384xi32>
    %shift_left3A_175 = arith.constant 16 : i32
    %shift_left3A_176 = vector.broadcast %shift_left3A_175 : i32 to vector<16x16384xi32>
    %shift_left3A_177 = arith.shli %xor3A_173, %shift_left3A_176 : vector<16x16384xi32>
    %shift_right_logical3A_178 = arith.constant 16 : i32
    %shift_right_logical3A_179 = vector.broadcast %shift_right_logical3A_178 : i32 to vector<16x16384xi32>
    %shift_right_logical3A_180 = arith.shrui %xor3A_173, %shift_right_logical3A_179 : vector<16x16384xi32>
    %or3A_181 = arith.ori %shift_left3A_177, %shift_right_logical3A_180 : vector<16x16384xi32>
    %xor3A_182 = arith.xori %add3A_174, %or3A_181 : vector<16x16384xi32>
    %add3A_183 = arith.addi %add3A_174, %xor3A_182 : vector<16x16384xi32>
    %shift_left3A_184 = arith.constant 24 : i32
    %shift_left3A_185 = vector.broadcast %shift_left3A_184 : i32 to vector<16x16384xi32>
    %shift_left3A_186 = arith.shli %xor3A_182, %shift_left3A_185 : vector<16x16384xi32>
    %shift_right_logical3A_187 = arith.constant 8 : i32
    %shift_right_logical3A_188 = vector.broadcast %shift_right_logical3A_187 : i32 to vector<16x16384xi32>
    %shift_right_logical3A_189 = arith.shrui %xor3A_182, %shift_right_logical3A_188 : vector<16x16384xi32>
    %or3A_190 = arith.ori %shift_left3A_186, %shift_right_logical3A_189 : vector<16x16384xi32>
    %xor3A_191 = arith.xori %add3A_183, %or3A_190 : vector<16x16384xi32>
    %add3A_192 = arith.constant 12345 : i32
    %add3A_193 = vector.broadcast %add3A_192 : i32 to vector<16x16384xi32>
    %add3A_194 = arith.addi %add3A_183, %add3A_193 : vector<16x16384xi32>
    %add3A_195 = arith.constant 466693091 : i32
    %add3A_196 = vector.broadcast %add3A_195 : i32 to vector<16x16384xi32>
    %add3A_197 = arith.addi %xor3A_191, %add3A_196 : vector<16x16384xi32>
    %add3A_198 = arith.constant 4 : i32
    %add3A_199 = vector.broadcast %add3A_198 : i32 to vector<16x16384xi32>
    %add3A_200 = arith.addi %add3A_197, %add3A_199 : vector<16x16384xi32>
    %add3A_201 = arith.addi %add3A_194, %add3A_200 : vector<16x16384xi32>
    %shift_left3A_202 = arith.constant 13 : i32
    %shift_left3A_203 = vector.broadcast %shift_left3A_202 : i32 to vector<16x16384xi32>
    %shift_left3A_204 = arith.shli %add3A_200, %shift_left3A_203 : vector<16x16384xi32>
    %shift_right_logical3A_205 = arith.constant 19 : i32
    %shift_right_logical3A_206 = vector.broadcast %shift_right_logical3A_205 : i32 to vector<16x16384xi32>
    %shift_right_logical3A_207 = arith.shrui %add3A_200, %shift_right_logical3A_206 : vector<16x16384xi32>
    %or3A_208 = arith.ori %shift_left3A_204, %shift_right_logical3A_207 : vector<16x16384xi32>
    %xor3A_209 = arith.xori %add3A_201, %or3A_208 : vector<16x16384xi32>
    %add3A_210 = arith.addi %add3A_201, %xor3A_209 : vector<16x16384xi32>
    %shift_left3A_211 = arith.constant 15 : i32
    %shift_left3A_212 = vector.broadcast %shift_left3A_211 : i32 to vector<16x16384xi32>
    %shift_left3A_213 = arith.shli %xor3A_209, %shift_left3A_212 : vector<16x16384xi32>
    %shift_right_logical3A_214 = arith.constant 17 : i32
    %shift_right_logical3A_215 = vector.broadcast %shift_right_logical3A_214 : i32 to vector<16x16384xi32>
    %shift_right_logical3A_216 = arith.shrui %xor3A_209, %shift_right_logical3A_215 : vector<16x16384xi32>
    %or3A_217 = arith.ori %shift_left3A_213, %shift_right_logical3A_216 : vector<16x16384xi32>
    %xor3A_218 = arith.xori %add3A_210, %or3A_217 : vector<16x16384xi32>
    %add3A_219 = arith.addi %add3A_210, %xor3A_218 : vector<16x16384xi32>
    %shift_left3A_220 = arith.constant 26 : i32
    %shift_left3A_221 = vector.broadcast %shift_left3A_220 : i32 to vector<16x16384xi32>
    %shift_left3A_222 = arith.shli %xor3A_218, %shift_left3A_221 : vector<16x16384xi32>
    %shift_right_logical3A_223 = arith.constant 6 : i32
    %shift_right_logical3A_224 = vector.broadcast %shift_right_logical3A_223 : i32 to vector<16x16384xi32>
    %shift_right_logical3A_225 = arith.shrui %xor3A_218, %shift_right_logical3A_224 : vector<16x16384xi32>
    %or3A_226 = arith.ori %shift_left3A_222, %shift_right_logical3A_225 : vector<16x16384xi32>
    %xor3A_227 = arith.xori %add3A_219, %or3A_226 : vector<16x16384xi32>
    %add3A_228 = arith.addi %add3A_219, %xor3A_227 : vector<16x16384xi32>
    %shift_left3A_229 = arith.constant 6 : i32
    %shift_left3A_230 = vector.broadcast %shift_left3A_229 : i32 to vector<16x16384xi32>
    %shift_left3A_231 = arith.shli %xor3A_227, %shift_left3A_230 : vector<16x16384xi32>
    %shift_right_logical3A_232 = arith.constant 26 : i32
    %shift_right_logical3A_233 = vector.broadcast %shift_right_logical3A_232 : i32 to vector<16x16384xi32>
    %shift_right_logical3A_234 = arith.shrui %xor3A_227, %shift_right_logical3A_233 : vector<16x16384xi32>
    %or3A_235 = arith.ori %shift_left3A_231, %shift_right_logical3A_234 : vector<16x16384xi32>
    %xor3A_236 = arith.xori %add3A_228, %or3A_235 : vector<16x16384xi32>
    %add3A_237 = arith.constant 466693091 : i32
    %add3A_238 = vector.broadcast %add3A_237 : i32 to vector<16x16384xi32>
    %add3A_239 = arith.addi %add3A_228, %add3A_238 : vector<16x16384xi32>
    %add3A_240 = arith.constant 0 : i32
    %add3A_241 = vector.broadcast %add3A_240 : i32 to vector<16x16384xi32>
    %add3A_242 = arith.addi %xor3A_236, %add3A_241 : vector<16x16384xi32>
    %add3A_243 = arith.constant 5 : i32
    %add3A_244 = vector.broadcast %add3A_243 : i32 to vector<16x16384xi32>
    %add3A_245 = arith.addi %add3A_242, %add3A_244 : vector<16x16384xi32>
    %xor3A_246 = arith.xori %add3A_239, %add3A_245 : vector<16x16384xi32>
    %shift_right_logical3A_247 = arith.constant 9 : i32
    %shift_right_logical3A_248 = vector.broadcast %shift_right_logical3A_247 : i32 to vector<16x16384xi32>
    %shift_right_logical3A_249 = arith.shrui %xor3A_246, %shift_right_logical3A_248 : vector<16x16384xi32>
    %or3A_250 = arith.constant 1065353216 : i32
    %or3A_251 = vector.broadcast %or3A_250 : i32 to vector<16x16384xi32>
    %or3A_252 = arith.ori %shift_right_logical3A_249, %or3A_251 : vector<16x16384xi32>
    %bitcast_convert_type3A = tpu.bitcast %or3A_252 : vector<16x16384xi32> -> vector<16x16384xf32>
    %sub3A = arith.constant 1.000000e+00 : f32
    %sub3A_253 = vector.broadcast %sub3A : f32 to vector<16x16384xf32>
    %sub3A_254 = arith.subf %bitcast_convert_type3A, %sub3A_253 : vector<16x16384xf32>
    %mul3A_255 = arith.constant 2.000000e+00 : f32
    %mul3A_256 = vector.broadcast %mul3A_255 : f32 to vector<16x16384xf32>
    %mul3A_257 = arith.mulf %sub3A_254, %mul3A_256 : vector<16x16384xf32>
    %add3A_258 = arith.constant -0.99999994 : f32
    %add3A_259 = vector.broadcast %add3A_258 : f32 to vector<16x16384xf32>
    %add3A_260 = arith.addf %mul3A_257, %add3A_259 : vector<16x16384xf32>
    %max3A = arith.constant -0.99999994 : f32
    %max3A_261 = vector.broadcast %max3A : f32 to vector<16x16384xf32>
    %max3A_262 = arith.maximumf %max3A_261, %add3A_260 : vector<16x16384xf32>
    %erf_inv3A = arith.constant 0.000000e+00 : f32
    %erf_inv3A_263 = vector.broadcast %erf_inv3A : f32 to vector<16x16384xf32>
    %erf_inv3A_264 = arith.subf %erf_inv3A_263, %max3A_262 : vector<16x16384xf32>
    %erf_inv3A_265 = arith.mulf %max3A_262, %erf_inv3A_264 : vector<16x16384xf32>
    %erf_inv3A_266 = math.log1p %erf_inv3A_265 : vector<16x16384xf32>
    %erf_inv3A_267 = arith.constant 0.000000e+00 : f32
    %erf_inv3A_268 = vector.broadcast %erf_inv3A_267 : f32 to vector<16x16384xf32>
    %erf_inv3A_269 = arith.subf %erf_inv3A_268, %erf_inv3A_266 : vector<16x16384xf32>
    %erf_inv3A_270 = arith.constant 5.000000e+00 : f32
    %erf_inv3A_271 = vector.broadcast %erf_inv3A_270 : f32 to vector<16x16384xf32>
    %erf_inv3A_272 = arith.cmpf olt, %erf_inv3A_269, %erf_inv3A_271 : vector<16x16384xf32>
    %erf_inv3A_273 = arith.constant 2.500000e+00 : f32
    %erf_inv3A_274 = vector.broadcast %erf_inv3A_273 : f32 to vector<16x16384xf32>
    %erf_inv3A_275 = arith.subf %erf_inv3A_269, %erf_inv3A_274 : vector<16x16384xf32>
    %erf_inv3A_276 = math.sqrt %erf_inv3A_269 : vector<16x16384xf32>
    %erf_inv3A_277 = arith.constant 3.000000e+00 : f32
    %erf_inv3A_278 = vector.broadcast %erf_inv3A_277 : f32 to vector<16x16384xf32>
    %erf_inv3A_279 = arith.subf %erf_inv3A_276, %erf_inv3A_278 : vector<16x16384xf32>
    %erf_inv3A_280 = arith.select %erf_inv3A_272, %erf_inv3A_275, %erf_inv3A_279 : vector<16x16384xi1>, vector<16x16384xf32>
    %erf_inv3A_281 = arith.constant 2.81022636E-8 : f32
    %erf_inv3A_282 = arith.constant -2.00214257E-4 : f32
    %erf_inv3A_283 = vector.broadcast %erf_inv3A_281 : f32 to vector<16x16384xf32>
    %erf_inv3A_284 = vector.broadcast %erf_inv3A_282 : f32 to vector<16x16384xf32>
    %erf_inv3A_285 = arith.select %erf_inv3A_272, %erf_inv3A_283, %erf_inv3A_284 : vector<16x16384xi1>, vector<16x16384xf32>
    %erf_inv3A_286 = arith.constant 3.43273939E-7 : f32
    %erf_inv3A_287 = arith.constant 1.00950558E-4 : f32
    %erf_inv3A_288 = vector.broadcast %erf_inv3A_286 : f32 to vector<16x16384xf32>
    %erf_inv3A_289 = vector.broadcast %erf_inv3A_287 : f32 to vector<16x16384xf32>
    %erf_inv3A_290 = arith.select %erf_inv3A_272, %erf_inv3A_288, %erf_inv3A_289 : vector<16x16384xi1>, vector<16x16384xf32>
    %erf_inv3A_291 = arith.mulf %erf_inv3A_285, %erf_inv3A_280 : vector<16x16384xf32>
    %erf_inv3A_292 = arith.addf %erf_inv3A_290, %erf_inv3A_291 : vector<16x16384xf32>
    %erf_inv3A_293 = arith.constant -3.5233877E-6 : f32
    %erf_inv3A_294 = arith.constant 0.00134934322 : f32
    %erf_inv3A_295 = vector.broadcast %erf_inv3A_293 : f32 to vector<16x16384xf32>
    %erf_inv3A_296 = vector.broadcast %erf_inv3A_294 : f32 to vector<16x16384xf32>
    %erf_inv3A_297 = arith.select %erf_inv3A_272, %erf_inv3A_295, %erf_inv3A_296 : vector<16x16384xi1>, vector<16x16384xf32>
    %erf_inv3A_298 = arith.mulf %erf_inv3A_292, %erf_inv3A_280 : vector<16x16384xf32>
    %erf_inv3A_299 = arith.addf %erf_inv3A_297, %erf_inv3A_298 : vector<16x16384xf32>
    %erf_inv3A_300 = arith.constant -4.39150654E-6 : f32
    %erf_inv3A_301 = arith.constant -0.00367342844 : f32
    %erf_inv3A_302 = vector.broadcast %erf_inv3A_300 : f32 to vector<16x16384xf32>
    %erf_inv3A_303 = vector.broadcast %erf_inv3A_301 : f32 to vector<16x16384xf32>
    %erf_inv3A_304 = arith.select %erf_inv3A_272, %erf_inv3A_302, %erf_inv3A_303 : vector<16x16384xi1>, vector<16x16384xf32>
    %erf_inv3A_305 = arith.mulf %erf_inv3A_299, %erf_inv3A_280 : vector<16x16384xf32>
    %erf_inv3A_306 = arith.addf %erf_inv3A_304, %erf_inv3A_305 : vector<16x16384xf32>
    %erf_inv3A_307 = arith.constant 2.1858087E-4 : f32
    %erf_inv3A_308 = arith.constant 0.00573950773 : f32
    %erf_inv3A_309 = vector.broadcast %erf_inv3A_307 : f32 to vector<16x16384xf32>
    %erf_inv3A_310 = vector.broadcast %erf_inv3A_308 : f32 to vector<16x16384xf32>
    %erf_inv3A_311 = arith.select %erf_inv3A_272, %erf_inv3A_309, %erf_inv3A_310 : vector<16x16384xi1>, vector<16x16384xf32>
    %erf_inv3A_312 = arith.mulf %erf_inv3A_306, %erf_inv3A_280 : vector<16x16384xf32>
    %erf_inv3A_313 = arith.addf %erf_inv3A_311, %erf_inv3A_312 : vector<16x16384xf32>
    %erf_inv3A_314 = arith.constant -0.00125372503 : f32
    %erf_inv3A_315 = arith.constant -0.0076224613 : f32
    %erf_inv3A_316 = vector.broadcast %erf_inv3A_314 : f32 to vector<16x16384xf32>
    %erf_inv3A_317 = vector.broadcast %erf_inv3A_315 : f32 to vector<16x16384xf32>
    %erf_inv3A_318 = arith.select %erf_inv3A_272, %erf_inv3A_316, %erf_inv3A_317 : vector<16x16384xi1>, vector<16x16384xf32>
    %erf_inv3A_319 = arith.mulf %erf_inv3A_313, %erf_inv3A_280 : vector<16x16384xf32>
    %erf_inv3A_320 = arith.addf %erf_inv3A_318, %erf_inv3A_319 : vector<16x16384xf32>
    %erf_inv3A_321 = arith.constant -0.00417768164 : f32
    %erf_inv3A_322 = arith.constant 0.00943887047 : f32
    %erf_inv3A_323 = vector.broadcast %erf_inv3A_321 : f32 to vector<16x16384xf32>
    %erf_inv3A_324 = vector.broadcast %erf_inv3A_322 : f32 to vector<16x16384xf32>
    %erf_inv3A_325 = arith.select %erf_inv3A_272, %erf_inv3A_323, %erf_inv3A_324 : vector<16x16384xi1>, vector<16x16384xf32>
    %erf_inv3A_326 = arith.mulf %erf_inv3A_320, %erf_inv3A_280 : vector<16x16384xf32>
    %erf_inv3A_327 = arith.addf %erf_inv3A_325, %erf_inv3A_326 : vector<16x16384xf32>
    %erf_inv3A_328 = arith.constant 0.246640727 : f32
    %erf_inv3A_329 = arith.constant 1.00167406 : f32
    %erf_inv3A_330 = vector.broadcast %erf_inv3A_328 : f32 to vector<16x16384xf32>
    %erf_inv3A_331 = vector.broadcast %erf_inv3A_329 : f32 to vector<16x16384xf32>
    %erf_inv3A_332 = arith.select %erf_inv3A_272, %erf_inv3A_330, %erf_inv3A_331 : vector<16x16384xi1>, vector<16x16384xf32>
    %erf_inv3A_333 = arith.mulf %erf_inv3A_327, %erf_inv3A_280 : vector<16x16384xf32>
    %erf_inv3A_334 = arith.addf %erf_inv3A_332, %erf_inv3A_333 : vector<16x16384xf32>
    %erf_inv3A_335 = arith.constant 1.50140941 : f32
    %erf_inv3A_336 = arith.constant 2.83297682 : f32
    %erf_inv3A_337 = vector.broadcast %erf_inv3A_335 : f32 to vector<16x16384xf32>
    %erf_inv3A_338 = vector.broadcast %erf_inv3A_336 : f32 to vector<16x16384xf32>
    %erf_inv3A_339 = arith.select %erf_inv3A_272, %erf_inv3A_337, %erf_inv3A_338 : vector<16x16384xi1>, vector<16x16384xf32>
    %erf_inv3A_340 = arith.mulf %erf_inv3A_334, %erf_inv3A_280 : vector<16x16384xf32>
    %erf_inv3A_341 = arith.addf %erf_inv3A_339, %erf_inv3A_340 : vector<16x16384xf32>
    %erf_inv3A_342 = math.absf %max3A_262 : vector<16x16384xf32>
    %erf_inv3A_343 = arith.constant 1.000000e+00 : f32
    %erf_inv3A_344 = vector.broadcast %erf_inv3A_343 : f32 to vector<16x16384xf32>
    %erf_inv3A_345 = arith.cmpf oeq, %erf_inv3A_342, %erf_inv3A_344 : vector<16x16384xf32>
    %erf_inv3A_346 = arith.constant 0x7F800000 : f32
    %erf_inv3A_347 = vector.broadcast %erf_inv3A_346 : f32 to vector<16x16384xf32>
    %erf_inv3A_348 = arith.mulf %erf_inv3A_347, %max3A_262 : vector<16x16384xf32>
    %erf_inv3A_349 = arith.mulf %erf_inv3A_341, %max3A_262 : vector<16x16384xf32>
    %erf_inv3A_350 = arith.select %erf_inv3A_345, %erf_inv3A_348, %erf_inv3A_349 : vector<16x16384xi1>, vector<16x16384xf32>
    %mul3A_351 = arith.constant 1.41421354 : f32
    %mul3A_352 = vector.broadcast %mul3A_351 : f32 to vector<16x16384xf32>
    %mul3A_353 = arith.mulf %mul3A_352, %erf_inv3A_350 : vector<16x16384xf32>
    %tanh3A = math.tanh %mul3A_353 : vector<16x16384xf32>
    %tanh3A_354 = math.tanh %tanh3A : vector<16x16384xf32>
    %tanh3A_355 = math.tanh %tanh3A_354 : vector<16x16384xf32>
    %tanh3A_356 = math.tanh %tanh3A_355 : vector<16x16384xf32>
    %get3A = arith.constant 0 : index
    %get3A_357 = arith.constant 0 : index
    %get3A_358 = vector.load %arg2[%get3A, %get3A_357] : memref<128x128xf32, #tpu.memory_space<vmem>>, vector<128x128xf32>
    %get3A_359 = arith.constant 0 : index
    %get3A_360 = arith.constant 0 : index
    %get3A_361 = vector.load %arg1[%get3A_359, %get3A_360] : memref<128x512xf32, #tpu.memory_space<vmem>>, vector<128x512xf32>
    %dot_general3A = arith.constant dense<0.000000e+00> : vector<128x512xf32>
    %dot_general3A_362 = tpu.matmul %get3A_358, %get3A_361, %dot_general3A {dimension_numbers = #tpu.dot_dimension_numbers<[1], [0], [0], [1], [0, 0, 1, 1], [], []>, transpose_lhs_hint = false} : vector<128x128xf32>, vector<128x512xf32>, vector<128x512xf32> -> vector<128x512xf32>
    %get3A_363 = arith.constant 0 : index
    %get3A_364 = arith.constant 0 : index
    %get3A_365 = vector.load %arg4[%get3A_363, %get3A_364] : memref<128x1xf32, #tpu.memory_space<vmem>>, vector<128x1xf32>
    %add3A_366 = vector.broadcast %get3A_365 : vector<128x1xf32> to vector<128x512xf32>
    %add3A_367 = arith.addf %dot_general3A_362, %add3A_366 : vector<128x512xf32>
    %get3A_368 = arith.constant 0 : index
    %get3A_369 = arith.constant 0 : index
    %get3A_370 = vector.load %arg3[%get3A_368, %get3A_369] : memref<128x16xf32, #tpu.memory_space<vmem>>, vector<128x16xf32>
    %dot_general3A_371 = arith.constant dense<0.000000e+00> : vector<128x16384xf32>
    %dot_general3A_372 = tpu.matmul %get3A_370, %tanh3A_356, %dot_general3A_371 {dimension_numbers = #tpu.dot_dimension_numbers<[1], [0], [0], [1], [0, 0, 1, 1], [], []>, transpose_lhs_hint = false} : vector<128x16xf32>, vector<16x16384xf32>, vector<128x16384xf32> -> vector<128x16384xf32>
    %tile3A = tpu.concatenate %add3A_367, %add3A_367, %add3A_367, %add3A_367, %add3A_367, %add3A_367, %add3A_367, %add3A_367, %add3A_367, %add3A_367, %add3A_367, %add3A_367, %add3A_367, %add3A_367, %add3A_367, %add3A_367, %add3A_367, %add3A_367, %add3A_367, %add3A_367, %add3A_367, %add3A_367, %add3A_367, %add3A_367, %add3A_367, %add3A_367, %add3A_367, %add3A_367, %add3A_367, %add3A_367, %add3A_367, %add3A_367 in 1 : vector<128x512xf32>, vector<128x512xf32>, vector<128x512xf32>, vector<128x512xf32>, vector<128x512xf32>, vector<128x512xf32>, vector<128x512xf32>, vector<128x512xf32>, vector<128x512xf32>, vector<128x512xf32>, vector<128x512xf32>, vector<128x512xf32>, vector<128x512xf32>, vector<128x512xf32>, vector<128x512xf32>, vector<128x512xf32>, vector<128x512xf32>, vector<128x512xf32>, vector<128x512xf32>, vector<128x512xf32>, vector<128x512xf32>, vector<128x512xf32>, vector<128x512xf32>, vector<128x512xf32>, vector<128x512xf32>, vector<128x512xf32>, vector<128x512xf32>, vector<128x512xf32>, vector<128x512xf32>, vector<128x512xf32>, vector<128x512xf32>, vector<128x512xf32> -> vector<128x16384xf32>
    %add3A_373 = arith.addf %dot_general3A_372, %tile3A : vector<128x16384xf32>
    %tanh3A_374 = math.tanh %add3A_373 : vector<128x16384xf32>
    %get3A_375 = arith.constant 0 : index
    %get3A_376 = arith.constant 0 : index
    %get3A_377 = vector.load %arg5[%get3A_375, %get3A_376] : memref<1x128xf32, #tpu.memory_space<vmem>>, vector<1x128xf32>
    %dot_general3A_378 = arith.constant dense<0.000000e+00> : vector<1x16384xf32>
    %dot_general3A_379 = tpu.matmul %get3A_377, %tanh3A_374, %dot_general3A_378 {dimension_numbers = #tpu.dot_dimension_numbers<[1], [0], [0], [1], [0, 0, 1, 1], [], []>, transpose_lhs_hint = false} : vector<1x128xf32>, vector<128x16384xf32>, vector<1x16384xf32> -> vector<1x16384xf32>
    %reshape3A = vector.shape_cast %dot_general3A_379 : vector<1x16384xf32> to vector<32x512xf32>
    %swap3A = arith.constant 0 : index
    %swap3A_380 = arith.constant 0 : index
    %swap3A_381 = vector.load %arg6[%swap3A, %swap3A_380] : memref<32x512xf32, #tpu.memory_space<vmem>>, vector<32x512xf32>
    tpu.vector_store %arg6[%swap3A, %swap3A_380], %reshape3A {strides = array<i32>} : memref<32x512xf32, #tpu.memory_space<vmem>>, vector<32x512xf32>,
    %iota3A_382 = tpu.iota {dimensions = array<i32: 0>} : vector<32x512xi32>
    %iota3A_383 = tpu.iota {dimensions = array<i32: 1>} : vector<32x512xi32>
    %mul3A_384 = arith.constant 32 : i32
    %mul3A_385 = arith.muli %arg0, %mul3A_384 : i32
    %add3A_386 = vector.broadcast %mul3A_385 : i32 to vector<32x512xi32>
    %add3A_387 = arith.addi %add3A_386, %iota3A_382 : vector<32x512xi32>
    %shift_left3A_388 = arith.constant 13 : i32
    %shift_left3A_389 = vector.broadcast %shift_left3A_388 : i32 to vector<32x512xi32>
    %shift_left3A_390 = arith.shli %add3A_387, %shift_left3A_389 : vector<32x512xi32>
    %add3A_391 = arith.addi %shift_left3A_390, %iota3A_383 : vector<32x512xi32>
    %broadcast_in_dim3A_392 = arith.constant 0 : i32
    %broadcast_in_dim3A_393 = vector.broadcast %broadcast_in_dim3A_392 : i32 to vector<32x512xi32>
    %add3A_394 = arith.constant 0 : i32
    %add3A_395 = vector.broadcast %add3A_394 : i32 to vector<32x512xi32>
    %add3A_396 = arith.addi %broadcast_in_dim3A_393, %add3A_395 : vector<32x512xi32>
    %add3A_397 = arith.constant 12345 : i32
    %add3A_398 = vector.broadcast %add3A_397 : i32 to vector<32x512xi32>
    %add3A_399 = arith.addi %add3A_391, %add3A_398 : vector<32x512xi32>
    %add3A_400 = arith.addi %add3A_396, %add3A_399 : vector<32x512xi32>
    %shift_left3A_401 = arith.constant 13 : i32
    %shift_left3A_402 = vector.broadcast %shift_left3A_401 : i32 to vector<32x512xi32>
    %shift_left3A_403 = arith.shli %add3A_399, %shift_left3A_402 : vector<32x512xi32>
    %shift_right_logical3A_404 = arith.constant 19 : i32
    %shift_right_logical3A_405 = vector.broadcast %shift_right_logical3A_404 : i32 to vector<32x512xi32>
    %shift_right_logical3A_406 = arith.shrui %add3A_399, %shift_right_logical3A_405 : vector<32x512xi32>
    %or3A_407 = arith.ori %shift_left3A_403, %shift_right_logical3A_406 : vector<32x512xi32>
    %xor3A_408 = arith.xori %add3A_400, %or3A_407 : vector<32x512xi32>
    %add3A_409 = arith.addi %add3A_400, %xor3A_408 : vector<32x512xi32>
    %shift_left3A_410 = arith.constant 15 : i32
    %shift_left3A_411 = vector.broadcast %shift_left3A_410 : i32 to vector<32x512xi32>
    %shift_left3A_412 = arith.shli %xor3A_408, %shift_left3A_411 : vector<32x512xi32>
    %shift_right_logical3A_413 = arith.constant 17 : i32
    %shift_right_logical3A_414 = vector.broadcast %shift_right_logical3A_413 : i32 to vector<32x512xi32>
    %shift_right_logical3A_415 = arith.shrui %xor3A_408, %shift_right_logical3A_414 : vector<32x512xi32>
    %or3A_416 = arith.ori %shift_left3A_412, %shift_right_logical3A_415 : vector<32x512xi32>
    %xor3A_417 = arith.xori %add3A_409, %or3A_416 : vector<32x512xi32>
    %add3A_418 = arith.addi %add3A_409, %xor3A_417 : vector<32x512xi32>
    %shift_left3A_419 = arith.constant 26 : i32
    %shift_left3A_420 = vector.broadcast %shift_left3A_419 : i32 to vector<32x512xi32>
    %shift_left3A_421 = arith.shli %xor3A_417, %shift_left3A_420 : vector<32x512xi32>
    %shift_right_logical3A_422 = arith.constant 6 : i32
    %shift_right_logical3A_423 = vector.broadcast %shift_right_logical3A_422 : i32 to vector<32x512xi32>
    %shift_right_logical3A_424 = arith.shrui %xor3A_417, %shift_right_logical3A_423 : vector<32x512xi32>
    %or3A_425 = arith.ori %shift_left3A_421, %shift_right_logical3A_424 : vector<32x512xi32>
    %xor3A_426 = arith.xori %add3A_418, %or3A_425 : vector<32x512xi32>
    %add3A_427 = arith.addi %add3A_418, %xor3A_426 : vector<32x512xi32>
    %shift_left3A_428 = arith.constant 6 : i32
    %shift_left3A_429 = vector.broadcast %shift_left3A_428 : i32 to vector<32x512xi32>
    %shift_left3A_430 = arith.shli %xor3A_426, %shift_left3A_429 : vector<32x512xi32>
    %shift_right_logical3A_431 = arith.constant 26 : i32
    %shift_right_logical3A_432 = vector.broadcast %shift_right_logical3A_431 : i32 to vector<32x512xi32>
    %shift_right_logical3A_433 = arith.shrui %xor3A_426, %shift_right_logical3A_432 : vector<32x512xi32>
    %or3A_434 = arith.ori %shift_left3A_430, %shift_right_logical3A_433 : vector<32x512xi32>
    %xor3A_435 = arith.xori %add3A_427, %or3A_434 : vector<32x512xi32>
    %add3A_436 = arith.constant 12345 : i32
    %add3A_437 = vector.broadcast %add3A_436 : i32 to vector<32x512xi32>
    %add3A_438 = arith.addi %add3A_427, %add3A_437 : vector<32x512xi32>
    %add3A_439 = arith.constant 466693091 : i32
    %add3A_440 = vector.broadcast %add3A_439 : i32 to vector<32x512xi32>
    %add3A_441 = arith.addi %xor3A_435, %add3A_440 : vector<32x512xi32>
    %add3A_442 = arith.constant 1 : i32
    %add3A_443 = vector.broadcast %add3A_442 : i32 to vector<32x512xi32>
    %add3A_444 = arith.addi %add3A_441, %add3A_443 : vector<32x512xi32>
    %add3A_445 = arith.addi %add3A_438, %add3A_444 : vector<32x512xi32>
    %shift_left3A_446 = arith.constant 17 : i32
    %shift_left3A_447 = vector.broadcast %shift_left3A_446 : i32 to vector<32x512xi32>
    %shift_left3A_448 = arith.shli %add3A_444, %shift_left3A_447 : vector<32x512xi32>
    %shift_right_logical3A_449 = arith.constant 15 : i32
    %shift_right_logical3A_450 = vector.broadcast %shift_right_logical3A_449 : i32 to vector<32x512xi32>
    %shift_right_logical3A_451 = arith.shrui %add3A_444, %shift_right_logical3A_450 : vector<32x512xi32>
    %or3A_452 = arith.ori %shift_left3A_448, %shift_right_logical3A_451 : vector<32x512xi32>
    %xor3A_453 = arith.xori %add3A_445, %or3A_452 : vector<32x512xi32>
    %add3A_454 = arith.addi %add3A_445, %xor3A_453 : vector<32x512xi32>
    %shift_left3A_455 = arith.constant 29 : i32
    %shift_left3A_456 = vector.broadcast %shift_left3A_455 : i32 to vector<32x512xi32>
    %shift_left3A_457 = arith.shli %xor3A_453, %shift_left3A_456 : vector<32x512xi32>
    %shift_right_logical3A_458 = arith.constant 3 : i32
    %shift_right_logical3A_459 = vector.broadcast %shift_right_logical3A_458 : i32 to vector<32x512xi32>
    %shift_right_logical3A_460 = arith.shrui %xor3A_453, %shift_right_logical3A_459 : vector<32x512xi32>
    %or3A_461 = arith.ori %shift_left3A_457, %shift_right_logical3A_460 : vector<32x512xi32>
    %xor3A_462 = arith.xori %add3A_454, %or3A_461 : vector<32x512xi32>
    %add3A_463 = arith.addi %add3A_454, %xor3A_462 : vector<32x512xi32>
    %shift_left3A_464 = arith.constant 16 : i32
    %shift_left3A_465 = vector.broadcast %shift_left3A_464 : i32 to vector<32x512xi32>
    %shift_left3A_466 = arith.shli %xor3A_462, %shift_left3A_465 : vector<32x512xi32>
    %shift_right_logical3A_467 = arith.constant 16 : i32
    %shift_right_logical3A_468 = vector.broadcast %shift_right_logical3A_467 : i32 to vector<32x512xi32>
    %shift_right_logical3A_469 = arith.shrui %xor3A_462, %shift_right_logical3A_468 : vector<32x512xi32>
    %or3A_470 = arith.ori %shift_left3A_466, %shift_right_logical3A_469 : vector<32x512xi32>
    %xor3A_471 = arith.xori %add3A_463, %or3A_470 : vector<32x512xi32>
    %add3A_472 = arith.addi %add3A_463, %xor3A_471 : vector<32x512xi32>
    %shift_left3A_473 = arith.constant 24 : i32
    %shift_left3A_474 = vector.broadcast %shift_left3A_473 : i32 to vector<32x512xi32>
    %shift_left3A_475 = arith.shli %xor3A_471, %shift_left3A_474 : vector<32x512xi32>
    %shift_right_logical3A_476 = arith.constant 8 : i32
    %shift_right_logical3A_477 = vector.broadcast %shift_right_logical3A_476 : i32 to vector<32x512xi32>
    %shift_right_logical3A_478 = arith.shrui %xor3A_471, %shift_right_logical3A_477 : vector<32x512xi32>
    %or3A_479 = arith.ori %shift_left3A_475, %shift_right_logical3A_478 : vector<32x512xi32>
    %xor3A_480 = arith.xori %add3A_472, %or3A_479 : vector<32x512xi32>
    %add3A_481 = arith.constant 466693091 : i32
    %add3A_482 = vector.broadcast %add3A_481 : i32 to vector<32x512xi32>
    %add3A_483 = arith.addi %add3A_472, %add3A_482 : vector<32x512xi32>
    %add3A_484 = arith.constant 0 : i32
    %add3A_485 = vector.broadcast %add3A_484 : i32 to vector<32x512xi32>
    %add3A_486 = arith.addi %xor3A_480, %add3A_485 : vector<32x512xi32>
    %add3A_487 = arith.constant 2 : i32
    %add3A_488 = vector.broadcast %add3A_487 : i32 to vector<32x512xi32>
    %add3A_489 = arith.addi %add3A_486, %add3A_488 : vector<32x512xi32>
    %add3A_490 = arith.addi %add3A_483, %add3A_489 : vector<32x512xi32>
    %shift_left3A_491 = arith.constant 13 : i32
    %shift_left3A_492 = vector.broadcast %shift_left3A_491 : i32 to vector<32x512xi32>
    %shift_left3A_493 = arith.shli %add3A_489, %shift_left3A_492 : vector<32x512xi32>
    %shift_right_logical3A_494 = arith.constant 19 : i32
    %shift_right_logical3A_495 = vector.broadcast %shift_right_logical3A_494 : i32 to vector<32x512xi32>
    %shift_right_logical3A_496 = arith.shrui %add3A_489, %shift_right_logical3A_495 : vector<32x512xi32>
    %or3A_497 = arith.ori %shift_left3A_493, %shift_right_logical3A_496 : vector<32x512xi32>
    %xor3A_498 = arith.xori %add3A_490, %or3A_497 : vector<32x512xi32>
    %add3A_499 = arith.addi %add3A_490, %xor3A_498 : vector<32x512xi32>
    %shift_left3A_500 = arith.constant 15 : i32
    %shift_left3A_501 = vector.broadcast %shift_left3A_500 : i32 to vector<32x512xi32>
    %shift_left3A_502 = arith.shli %xor3A_498, %shift_left3A_501 : vector<32x512xi32>
    %shift_right_logical3A_503 = arith.constant 17 : i32
    %shift_right_logical3A_504 = vector.broadcast %shift_right_logical3A_503 : i32 to vector<32x512xi32>
    %shift_right_logical3A_505 = arith.shrui %xor3A_498, %shift_right_logical3A_504 : vector<32x512xi32>
    %or3A_506 = arith.ori %shift_left3A_502, %shift_right_logical3A_505 : vector<32x512xi32>
    %xor3A_507 = arith.xori %add3A_499, %or3A_506 : vector<32x512xi32>
    %add3A_508 = arith.addi %add3A_499, %xor3A_507 : vector<32x512xi32>
    %shift_left3A_509 = arith.constant 26 : i32
    %shift_left3A_510 = vector.broadcast %shift_left3A_509 : i32 to vector<32x512xi32>
    %shift_left3A_511 = arith.shli %xor3A_507, %shift_left3A_510 : vector<32x512xi32>
    %shift_right_logical3A_512 = arith.constant 6 : i32
    %shift_right_logical3A_513 = vector.broadcast %shift_right_logical3A_512 : i32 to vector<32x512xi32>
    %shift_right_logical3A_514 = arith.shrui %xor3A_507, %shift_right_logical3A_513 : vector<32x512xi32>
    %or3A_515 = arith.ori %shift_left3A_511, %shift_right_logical3A_514 : vector<32x512xi32>
    %xor3A_516 = arith.xori %add3A_508, %or3A_515 : vector<32x512xi32>
    %add3A_517 = arith.addi %add3A_508, %xor3A_516 : vector<32x512xi32>
    %shift_left3A_518 = arith.constant 6 : i32
    %shift_left3A_519 = vector.broadcast %shift_left3A_518 : i32 to vector<32x512xi32>
    %shift_left3A_520 = arith.shli %xor3A_516, %shift_left3A_519 : vector<32x512xi32>
    %shift_right_logical3A_521 = arith.constant 26 : i32
    %shift_right_logical3A_522 = vector.broadcast %shift_right_logical3A_521 : i32 to vector<32x512xi32>
    %shift_right_logical3A_523 = arith.shrui %xor3A_516, %shift_right_logical3A_522 : vector<32x512xi32>
    %or3A_524 = arith.ori %shift_left3A_520, %shift_right_logical3A_523 : vector<32x512xi32>
    %xor3A_525 = arith.xori %add3A_517, %or3A_524 : vector<32x512xi32>
    %add3A_526 = arith.constant 0 : i32
    %add3A_527 = vector.broadcast %add3A_526 : i32 to vector<32x512xi32>
    %add3A_528 = arith.addi %add3A_517, %add3A_527 : vector<32x512xi32>
    %add3A_529 = arith.constant 12345 : i32
    %add3A_530 = vector.broadcast %add3A_529 : i32 to vector<32x512xi32>
    %add3A_531 = arith.addi %xor3A_525, %add3A_530 : vector<32x512xi32>
    %add3A_532 = arith.constant 3 : i32
    %add3A_533 = vector.broadcast %add3A_532 : i32 to vector<32x512xi32>
    %add3A_534 = arith.addi %add3A_531, %add3A_533 : vector<32x512xi32>
    %add3A_535 = arith.addi %add3A_528, %add3A_534 : vector<32x512xi32>
    %shift_left3A_536 = arith.constant 17 : i32
    %shift_left3A_537 = vector.broadcast %shift_left3A_536 : i32 to vector<32x512xi32>
    %shift_left3A_538 = arith.shli %add3A_534, %shift_left3A_537 : vector<32x512xi32>
    %shift_right_logical3A_539 = arith.constant 15 : i32
    %shift_right_logical3A_540 = vector.broadcast %shift_right_logical3A_539 : i32 to vector<32x512xi32>
    %shift_right_logical3A_541 = arith.shrui %add3A_534, %shift_right_logical3A_540 : vector<32x512xi32>
    %or3A_542 = arith.ori %shift_left3A_538, %shift_right_logical3A_541 : vector<32x512xi32>
    %xor3A_543 = arith.xori %add3A_535, %or3A_542 : vector<32x512xi32>
    %add3A_544 = arith.addi %add3A_535, %xor3A_543 : vector<32x512xi32>
    %shift_left3A_545 = arith.constant 29 : i32
    %shift_left3A_546 = vector.broadcast %shift_left3A_545 : i32 to vector<32x512xi32>
    %shift_left3A_547 = arith.shli %xor3A_543, %shift_left3A_546 : vector<32x512xi32>
    %shift_right_logical3A_548 = arith.constant 3 : i32
    %shift_right_logical3A_549 = vector.broadcast %shift_right_logical3A_548 : i32 to vector<32x512xi32>
    %shift_right_logical3A_550 = arith.shrui %xor3A_543, %shift_right_logical3A_549 : vector<32x512xi32>
    %or3A_551 = arith.ori %shift_left3A_547, %shift_right_logical3A_550 : vector<32x512xi32>
    %xor3A_552 = arith.xori %add3A_544, %or3A_551 : vector<32x512xi32>
    %add3A_553 = arith.addi %add3A_544, %xor3A_552 : vector<32x512xi32>
    %shift_left3A_554 = arith.constant 16 : i32
    %shift_left3A_555 = vector.broadcast %shift_left3A_554 : i32 to vector<32x512xi32>
    %shift_left3A_556 = arith.shli %xor3A_552, %shift_left3A_555 : vector<32x512xi32>
    %shift_right_logical3A_557 = arith.constant 16 : i32
    %shift_right_logical3A_558 = vector.broadcast %shift_right_logical3A_557 : i32 to vector<32x512xi32>
    %shift_right_logical3A_559 = arith.shrui %xor3A_552, %shift_right_logical3A_558 : vector<32x512xi32>
    %or3A_560 = arith.ori %shift_left3A_556, %shift_right_logical3A_559 : vector<32x512xi32>
    %xor3A_561 = arith.xori %add3A_553, %or3A_560 : vector<32x512xi32>
    %add3A_562 = arith.addi %add3A_553, %xor3A_561 : vector<32x512xi32>
    %shift_left3A_563 = arith.constant 24 : i32
    %shift_left3A_564 = vector.broadcast %shift_left3A_563 : i32 to vector<32x512xi32>
    %shift_left3A_565 = arith.shli %xor3A_561, %shift_left3A_564 : vector<32x512xi32>
    %shift_right_logical3A_566 = arith.constant 8 : i32
    %shift_right_logical3A_567 = vector.broadcast %shift_right_logical3A_566 : i32 to vector<32x512xi32>
    %shift_right_logical3A_568 = arith.shrui %xor3A_561, %shift_right_logical3A_567 : vector<32x512xi32>
    %or3A_569 = arith.ori %shift_left3A_565, %shift_right_logical3A_568 : vector<32x512xi32>
    %xor3A_570 = arith.xori %add3A_562, %or3A_569 : vector<32x512xi32>
    %add3A_571 = arith.constant 12345 : i32
    %add3A_572 = vector.broadcast %add3A_571 : i32 to vector<32x512xi32>
    %add3A_573 = arith.addi %add3A_562, %add3A_572 : vector<32x512xi32>
    %add3A_574 = arith.constant 466693091 : i32
    %add3A_575 = vector.broadcast %add3A_574 : i32 to vector<32x512xi32>
    %add3A_576 = arith.addi %xor3A_570, %add3A_575 : vector<32x512xi32>
    %add3A_577 = arith.constant 4 : i32
    %add3A_578 = vector.broadcast %add3A_577 : i32 to vector<32x512xi32>
    %add3A_579 = arith.addi %add3A_576, %add3A_578 : vector<32x512xi32>
    %add3A_580 = arith.addi %add3A_573, %add3A_579 : vector<32x512xi32>
    %shift_left3A_581 = arith.constant 13 : i32
    %shift_left3A_582 = vector.broadcast %shift_left3A_581 : i32 to vector<32x512xi32>
    %shift_left3A_583 = arith.shli %add3A_579, %shift_left3A_582 : vector<32x512xi32>
    %shift_right_logical3A_584 = arith.constant 19 : i32
    %shift_right_logical3A_585 = vector.broadcast %shift_right_logical3A_584 : i32 to vector<32x512xi32>
    %shift_right_logical3A_586 = arith.shrui %add3A_579, %shift_right_logical3A_585 : vector<32x512xi32>
    %or3A_587 = arith.ori %shift_left3A_583, %shift_right_logical3A_586 : vector<32x512xi32>
    %xor3A_588 = arith.xori %add3A_580, %or3A_587 : vector<32x512xi32>
    %add3A_589 = arith.addi %add3A_580, %xor3A_588 : vector<32x512xi32>
    %shift_left3A_590 = arith.constant 15 : i32
    %shift_left3A_591 = vector.broadcast %shift_left3A_590 : i32 to vector<32x512xi32>
    %shift_left3A_592 = arith.shli %xor3A_588, %shift_left3A_591 : vector<32x512xi32>
    %shift_right_logical3A_593 = arith.constant 17 : i32
    %shift_right_logical3A_594 = vector.broadcast %shift_right_logical3A_593 : i32 to vector<32x512xi32>
    %shift_right_logical3A_595 = arith.shrui %xor3A_588, %shift_right_logical3A_594 : vector<32x512xi32>
    %or3A_596 = arith.ori %shift_left3A_592, %shift_right_logical3A_595 : vector<32x512xi32>
    %xor3A_597 = arith.xori %add3A_589, %or3A_596 : vector<32x512xi32>
    %add3A_598 = arith.addi %add3A_589, %xor3A_597 : vector<32x512xi32>
    %shift_left3A_599 = arith.constant 26 : i32
    %shift_left3A_600 = vector.broadcast %shift_left3A_599 : i32 to vector<32x512xi32>
    %shift_left3A_601 = arith.shli %xor3A_597, %shift_left3A_600 : vector<32x512xi32>
    %shift_right_logical3A_602 = arith.constant 6 : i32
    %shift_right_logical3A_603 = vector.broadcast %shift_right_logical3A_602 : i32 to vector<32x512xi32>
    %shift_right_logical3A_604 = arith.shrui %xor3A_597, %shift_right_logical3A_603 : vector<32x512xi32>
    %or3A_605 = arith.ori %shift_left3A_601, %shift_right_logical3A_604 : vector<32x512xi32>
    %xor3A_606 = arith.xori %add3A_598, %or3A_605 : vector<32x512xi32>
    %add3A_607 = arith.addi %add3A_598, %xor3A_606 : vector<32x512xi32>
    %shift_left3A_608 = arith.constant 6 : i32
    %shift_left3A_609 = vector.broadcast %shift_left3A_608 : i32 to vector<32x512xi32>
    %shift_left3A_610 = arith.shli %xor3A_606, %shift_left3A_609 : vector<32x512xi32>
    %shift_right_logical3A_611 = arith.constant 26 : i32
    %shift_right_logical3A_612 = vector.broadcast %shift_right_logical3A_611 : i32 to vector<32x512xi32>
    %shift_right_logical3A_613 = arith.shrui %xor3A_606, %shift_right_logical3A_612 : vector<32x512xi32>
    %or3A_614 = arith.ori %shift_left3A_610, %shift_right_logical3A_613 : vector<32x512xi32>
    %xor3A_615 = arith.xori %add3A_607, %or3A_614 : vector<32x512xi32>
    %add3A_616 = arith.constant 466693091 : i32
    %add3A_617 = vector.broadcast %add3A_616 : i32 to vector<32x512xi32>
    %add3A_618 = arith.addi %add3A_607, %add3A_617 : vector<32x512xi32>
    %add3A_619 = arith.constant 0 : i32
    %add3A_620 = vector.broadcast %add3A_619 : i32 to vector<32x512xi32>
    %add3A_621 = arith.addi %xor3A_615, %add3A_620 : vector<32x512xi32>
    %add3A_622 = arith.constant 5 : i32
    %add3A_623 = vector.broadcast %add3A_622 : i32 to vector<32x512xi32>
    %add3A_624 = arith.addi %add3A_621, %add3A_623 : vector<32x512xi32>
    %xor3A_625 = arith.xori %add3A_618, %add3A_624 : vector<32x512xi32>
    %shift_right_logical3A_626 = arith.constant 9 : i32
    %shift_right_logical3A_627 = vector.broadcast %shift_right_logical3A_626 : i32 to vector<32x512xi32>
    %shift_right_logical3A_628 = arith.shrui %xor3A_625, %shift_right_logical3A_627 : vector<32x512xi32>
    %or3A_629 = arith.constant 1065353216 : i32
    %or3A_630 = vector.broadcast %or3A_629 : i32 to vector<32x512xi32>
    %or3A_631 = arith.ori %shift_right_logical3A_628, %or3A_630 : vector<32x512xi32>
    %bitcast_convert_type3A_632 = tpu.bitcast %or3A_631 : vector<32x512xi32> -> vector<32x512xf32>
    %sub3A_633 = arith.constant 1.000000e+00 : f32
    %sub3A_634 = vector.broadcast %sub3A_633 : f32 to vector<32x512xf32>
    %sub3A_635 = arith.subf %bitcast_convert_type3A_632, %sub3A_634 : vector<32x512xf32>
    %mul3A_636 = arith.constant 2.000000e+00 : f32
    %mul3A_637 = vector.broadcast %mul3A_636 : f32 to vector<32x512xf32>
    %mul3A_638 = arith.mulf %sub3A_635, %mul3A_637 : vector<32x512xf32>
    %add3A_639 = arith.constant -0.99999994 : f32
    %add3A_640 = vector.broadcast %add3A_639 : f32 to vector<32x512xf32>
    %add3A_641 = arith.addf %mul3A_638, %add3A_640 : vector<32x512xf32>
    %max3A_642 = arith.constant -0.99999994 : f32
    %max3A_643 = vector.broadcast %max3A_642 : f32 to vector<32x512xf32>
    %max3A_644 = arith.maximumf %max3A_643, %add3A_641 : vector<32x512xf32>
    %erf_inv3A_645 = arith.constant 0.000000e+00 : f32
    %erf_inv3A_646 = vector.broadcast %erf_inv3A_645 : f32 to vector<32x512xf32>
    %erf_inv3A_647 = arith.subf %erf_inv3A_646, %max3A_644 : vector<32x512xf32>
    %erf_inv3A_648 = arith.mulf %max3A_644, %erf_inv3A_647 : vector<32x512xf32>
    %erf_inv3A_649 = math.log1p %erf_inv3A_648 : vector<32x512xf32>
    %erf_inv3A_650 = arith.constant 0.000000e+00 : f32
    %erf_inv3A_651 = vector.broadcast %erf_inv3A_650 : f32 to vector<32x512xf32>
    %erf_inv3A_652 = arith.subf %erf_inv3A_651, %erf_inv3A_649 : vector<32x512xf32>
    %erf_inv3A_653 = arith.constant 5.000000e+00 : f32
    %erf_inv3A_654 = vector.broadcast %erf_inv3A_653 : f32 to vector<32x512xf32>
    %erf_inv3A_655 = arith.cmpf olt, %erf_inv3A_652, %erf_inv3A_654 : vector<32x512xf32>
    %erf_inv3A_656 = arith.constant 2.500000e+00 : f32
    %erf_inv3A_657 = vector.broadcast %erf_inv3A_656 : f32 to vector<32x512xf32>
    %erf_inv3A_658 = arith.subf %erf_inv3A_652, %erf_inv3A_657 : vector<32x512xf32>
    %erf_inv3A_659 = math.sqrt %erf_inv3A_652 : vector<32x512xf32>
    %erf_inv3A_660 = arith.constant 3.000000e+00 : f32
    %erf_inv3A_661 = vector.broadcast %erf_inv3A_660 : f32 to vector<32x512xf32>
    %erf_inv3A_662 = arith.subf %erf_inv3A_659, %erf_inv3A_661 : vector<32x512xf32>
    %erf_inv3A_663 = arith.select %erf_inv3A_655, %erf_inv3A_658, %erf_inv3A_662 : vector<32x512xi1>, vector<32x512xf32>
    %erf_inv3A_664 = arith.constant 2.81022636E-8 : f32
    %erf_inv3A_665 = arith.constant -2.00214257E-4 : f32
    %erf_inv3A_666 = vector.broadcast %erf_inv3A_664 : f32 to vector<32x512xf32>
    %erf_inv3A_667 = vector.broadcast %erf_inv3A_665 : f32 to vector<32x512xf32>
    %erf_inv3A_668 = arith.select %erf_inv3A_655, %erf_inv3A_666, %erf_inv3A_667 : vector<32x512xi1>, vector<32x512xf32>
    %erf_inv3A_669 = arith.constant 3.43273939E-7 : f32
    %erf_inv3A_670 = arith.constant 1.00950558E-4 : f32
    %erf_inv3A_671 = vector.broadcast %erf_inv3A_669 : f32 to vector<32x512xf32>
    %erf_inv3A_672 = vector.broadcast %erf_inv3A_670 : f32 to vector<32x512xf32>
    %erf_inv3A_673 = arith.select %erf_inv3A_655, %erf_inv3A_671, %erf_inv3A_672 : vector<32x512xi1>, vector<32x512xf32>
    %erf_inv3A_674 = arith.mulf %erf_inv3A_668, %erf_inv3A_663 : vector<32x512xf32>
    %erf_inv3A_675 = arith.addf %erf_inv3A_673, %erf_inv3A_674 : vector<32x512xf32>
    %erf_inv3A_676 = arith.constant -3.5233877E-6 : f32
    %erf_inv3A_677 = arith.constant 0.00134934322 : f32
    %erf_inv3A_678 = vector.broadcast %erf_inv3A_676 : f32 to vector<32x512xf32>
    %erf_inv3A_679 = vector.broadcast %erf_inv3A_677 : f32 to vector<32x512xf32>
    %erf_inv3A_680 = arith.select %erf_inv3A_655, %erf_inv3A_678, %erf_inv3A_679 : vector<32x512xi1>, vector<32x512xf32>
    %erf_inv3A_681 = arith.mulf %erf_inv3A_675, %erf_inv3A_663 : vector<32x512xf32>
    %erf_inv3A_682 = arith.addf %erf_inv3A_680, %erf_inv3A_681 : vector<32x512xf32>
    %erf_inv3A_683 = arith.constant -4.39150654E-6 : f32
    %erf_inv3A_684 = arith.constant -0.00367342844 : f32
    %erf_inv3A_685 = vector.broadcast %erf_inv3A_683 : f32 to vector<32x512xf32>
    %erf_inv3A_686 = vector.broadcast %erf_inv3A_684 : f32 to vector<32x512xf32>
    %erf_inv3A_687 = arith.select %erf_inv3A_655, %erf_inv3A_685, %erf_inv3A_686 : vector<32x512xi1>, vector<32x512xf32>
    %erf_inv3A_688 = arith.mulf %erf_inv3A_682, %erf_inv3A_663 : vector<32x512xf32>
    %erf_inv3A_689 = arith.addf %erf_inv3A_687, %erf_inv3A_688 : vector<32x512xf32>
    %erf_inv3A_690 = arith.constant 2.1858087E-4 : f32
    %erf_inv3A_691 = arith.constant 0.00573950773 : f32
    %erf_inv3A_692 = vector.broadcast %erf_inv3A_690 : f32 to vector<32x512xf32>
    %erf_inv3A_693 = vector.broadcast %erf_inv3A_691 : f32 to vector<32x512xf32>
    %erf_inv3A_694 = arith.select %erf_inv3A_655, %erf_inv3A_692, %erf_inv3A_693 : vector<32x512xi1>, vector<32x512xf32>
    %erf_inv3A_695 = arith.mulf %erf_inv3A_689, %erf_inv3A_663 : vector<32x512xf32>
    %erf_inv3A_696 = arith.addf %erf_inv3A_694, %erf_inv3A_695 : vector<32x512xf32>
    %erf_inv3A_697 = arith.constant -0.00125372503 : f32
    %erf_inv3A_698 = arith.constant -0.0076224613 : f32
    %erf_inv3A_699 = vector.broadcast %erf_inv3A_697 : f32 to vector<32x512xf32>
    %erf_inv3A_700 = vector.broadcast %erf_inv3A_698 : f32 to vector<32x512xf32>
    %erf_inv3A_701 = arith.select %erf_inv3A_655, %erf_inv3A_699, %erf_inv3A_700 : vector<32x512xi1>, vector<32x512xf32>
    %erf_inv3A_702 = arith.mulf %erf_inv3A_696, %erf_inv3A_663 : vector<32x512xf32>
    %erf_inv3A_703 = arith.addf %erf_inv3A_701, %erf_inv3A_702 : vector<32x512xf32>
    %erf_inv3A_704 = arith.constant -0.00417768164 : f32
    %erf_inv3A_705 = arith.constant 0.00943887047 : f32
    %erf_inv3A_706 = vector.broadcast %erf_inv3A_704 : f32 to vector<32x512xf32>
    %erf_inv3A_707 = vector.broadcast %erf_inv3A_705 : f32 to vector<32x512xf32>
    %erf_inv3A_708 = arith.select %erf_inv3A_655, %erf_inv3A_706, %erf_inv3A_707 : vector<32x512xi1>, vector<32x512xf32>
    %erf_inv3A_709 = arith.mulf %erf_inv3A_703, %erf_inv3A_663 : vector<32x512xf32>
    %erf_inv3A_710 = arith.addf %erf_inv3A_708, %erf_inv3A_709 : vector<32x512xf32>
    %erf_inv3A_711 = arith.constant 0.246640727 : f32
    %erf_inv3A_712 = arith.constant 1.00167406 : f32
    %erf_inv3A_713 = vector.broadcast %erf_inv3A_711 : f32 to vector<32x512xf32>
    %erf_inv3A_714 = vector.broadcast %erf_inv3A_712 : f32 to vector<32x512xf32>
    %erf_inv3A_715 = arith.select %erf_inv3A_655, %erf_inv3A_713, %erf_inv3A_714 : vector<32x512xi1>, vector<32x512xf32>
    %erf_inv3A_716 = arith.mulf %erf_inv3A_710, %erf_inv3A_663 : vector<32x512xf32>
    %erf_inv3A_717 = arith.addf %erf_inv3A_715, %erf_inv3A_716 : vector<32x512xf32>
    %erf_inv3A_718 = arith.constant 1.50140941 : f32
    %erf_inv3A_719 = arith.constant 2.83297682 : f32
    %erf_inv3A_720 = vector.broadcast %erf_inv3A_718 : f32 to vector<32x512xf32>
    %erf_inv3A_721 = vector.broadcast %erf_inv3A_719 : f32 to vector<32x512xf32>
    %erf_inv3A_722 = arith.select %erf_inv3A_655, %erf_inv3A_720, %erf_inv3A_721 : vector<32x512xi1>, vector<32x512xf32>
    %erf_inv3A_723 = arith.mulf %erf_inv3A_717, %erf_inv3A_663 : vector<32x512xf32>
    %erf_inv3A_724 = arith.addf %erf_inv3A_722, %erf_inv3A_723 : vector<32x512xf32>
    %erf_inv3A_725 = math.absf %max3A_644 : vector<32x512xf32>
    %erf_inv3A_726 = arith.constant 1.000000e+00 : f32
    %erf_inv3A_727 = vector.broadcast %erf_inv3A_726 : f32 to vector<32x512xf32>
    %erf_inv3A_728 = arith.cmpf oeq, %erf_inv3A_725, %erf_inv3A_727 : vector<32x512xf32>
    %erf_inv3A_729 = arith.constant 0x7F800000 : f32
    %erf_inv3A_730 = vector.broadcast %erf_inv3A_729 : f32 to vector<32x512xf32>
    %erf_inv3A_731 = arith.mulf %erf_inv3A_730, %max3A_644 : vector<32x512xf32>
    %erf_inv3A_732 = arith.mulf %erf_inv3A_724, %max3A_644 : vector<32x512xf32>
    %erf_inv3A_733 = arith.select %erf_inv3A_728, %erf_inv3A_731, %erf_inv3A_732 : vector<32x512xi1>, vector<32x512xf32>
    %mul3A_734 = arith.constant 1.41421354 : f32
    %mul3A_735 = vector.broadcast %mul3A_734 : f32 to vector<32x512xf32>
    %mul3A_736 = arith.mulf %mul3A_735, %erf_inv3A_733 : vector<32x512xf32>
    %tanh3A_737 = math.tanh %mul3A_736 : vector<32x512xf32>
    %tanh3A_738 = math.tanh %tanh3A_737 : vector<32x512xf32>
    %tanh3A_739 = math.tanh %tanh3A_738 : vector<32x512xf32>
    %tanh3A_740 = math.tanh %tanh3A_739 : vector<32x512xf32>
    %swap3A_741 = arith.constant 0 : index
    %swap3A_742 = arith.constant 0 : index
    %swap3A_743 = vector.load %arg7[%swap3A_741, %swap3A_742] : memref<32x512xf32, #tpu.memory_space<vmem>>, vector<32x512xf32>
    tpu.vector_store %arg7[%swap3A_741, %swap3A_742], %tanh3A_740 {strides = array<i32>} : memref<32x512xf32, #tpu.memory_space<vmem>>, vector<32x512xf32>,
    return
  }
  func.func @transform_0(%arg0: i32) -> (i32, i32) {
    %c0_i32 = arith.constant 0 : i32
    %c0_i32_0 = arith.constant 0 : i32
    %c0_i32_1 = arith.constant 0 : i32
    return %c0_i32, %c0_i32_0 : i32, i32
  }
  func.func @transform_1(%arg0: i32) -> (i32, i32) {
    %c0_i32 = arith.constant 0 : i32
    %c0_i32_0 = arith.constant 0 : i32
    %c0_i32_1 = arith.constant 0 : i32
    return %c0_i32, %c0_i32_0 : i32, i32
  }
  func.func @transform_2(%arg0: i32) -> (i32, i32) {
    %c0_i32 = arith.constant 0 : i32
    %c0_i32_0 = arith.constant 0 : i32
    %c0_i32_1 = arith.constant 0 : i32
    return %c0_i32, %c0_i32_0 : i32, i32
  }
  func.func @transform_3(%arg0: i32) -> (i32, i32) {
    %c0_i32 = arith.constant 0 : i32
    %c0_i32_0 = arith.constant 0 : i32
    %c0_i32_1 = arith.constant 0 : i32
    return %c0_i32, %c0_i32_0 : i32, i32
  }
  func.func @transform_4(%arg0: i32) -> (i32, i32) {
    %c0_i32 = arith.constant 0 : i32
    %c0_i32_0 = arith.constant 0 : i32
    %c0_i32_1 = arith.constant 0 : i32
    return %c0_i32, %c0_i32_0 : i32, i32
  }
  func.func @transform_5(%arg0: i32) -> (i32, i32) {
    %c0_i32 = arith.constant 0 : i32
    %c0_i32_0 = arith.constant 0 : i32
    return %arg0, %c0_i32 : i32, i32
  }
  func.func @transform_6(%arg0: i32) -> (i32, i32) {
    %c0_i32 = arith.constant 0 : i32
    %c0_i32_0 = arith.constant 0 : i32
    return %arg0, %c0_i32 : i32, i32
  }
}

</mosaic_0001>

<sc_bundles>
// kernel: kernel.4.cloned.1.call-start
scs
__scs_entry_jumppad:
0x0: {  	(pc) =	sbr.rel $0x88, $3  }
0x1: {  	(tag) =	ssettag $0x0;
	lr =	simm.s32 $0x1  }
0x2: {  	[smem:$0x3F9D] =	sst lr;
	_ =	strace $0xD0000000  }
0x3: {  	_ = 	snop  }
0x4: {  	_ = 	snop  }
0x5: {  	_ = 	snop  }
0x6: {  	_ = 	snop  }
0x7: {  	_ = 	snop  }
__scs_overlays_trampoline_lowered:
0x8: {  	[smem:$0x3FAC] =	sst s0  }
0x9: {  	[smem:$0x3FAD] =	sst s1  }
0xa: {  	[smem:$0x3FAE] =	sst s2  }
0xb: {  	[smem:$0x3FAF] =	sst s3  }
0xc: {  	[smem:$0x3FB0] =	sst s4  }
0xd: {  	[smem:$0x3FB1] =	sst s5  }
0xe: {  	[smem:$0x3FB2] =	sst s6  }
0xf: {  	[smem:$0x3FB3] =	sst s7  }
0x10: {  	[smem:$0x3FB4] =	sst s8  }
0x11: {  	[smem:$0x3FB5] =	sst s9;
	s0 =	simm.s32 @!p0 $0x0  }
0x12: {  	s1 =	sld [smem:$0x3F9B];
	s0 =	simm.s32 @p0 $0x1  }
0x13: {  	[smem:$0x3FB6] =	sst s0;
	s0 =	simm.s32 @!p1 $0x0  }
0x14: {  	s2 =	sld [smem:$0x3F9A];
	s0 =	simm.s32 @p1 $0x1  }
0x15: {  	[smem:$0x3FB7] =	sst s0;
	s0 =	simm.s32 @!p2 $0x0  }
0x16: {  	s3 =	sld [smem:$0x3FDB];
	s0 =	simm.s32 @p2 $0x1  }
0x17: {  	s4 =	simm.s32 $0x1BF5;
	[smem:$0x3FB9] =	sst s0  }
0x18: {  	s0 =	sld [smem:$0x3F9C];
	_ =	swait.ge [sflag:s4], $0x0  }
0x19: {  	s7 =	sld [smem:$0x3F9D]  }
0x1a: {  	s8 =	sadd.s32 $0xFFFFE003, lr  }
0x1b: {  	s9 =	sadd.s32 $0xFFFFFEF7, lr;
	s5 =	simm.s32 $0xFFFFFFFF;
	p2 =	slt.u32 s8, $0xFFFFF086  }
0x1c: {  	p1 =	slt.u32 s9, $0xF7A;
	s5 =	simm.s32 @!p2 $0x0  }
0x1d: {  	s5 =	simm.s32 @p1 $0x1;
	p0 =	seq.s32 s7, s2  }
0x1e: {  	s7 =	smul.u32 @!p0 $0xF7A, s2;
	p2 =	seq.s32 @!p0 s5, $0x0  }
0x1f: {  	s9 =	smul.u32 $0xF7A, s1;
	s8 =	simm.s32 @!p0 $0x1BF5;
	p2 =	por !p2, p0  }
0x20: {  	[sflag:s8] =	ssyncset.s32 @!p0 $0xFFFFF086;
	s6 =	sadd.s32 @!p0 s3, s7;
	s7 =	simm.s32 @!p0 $0x108  }
0x21: {  	s3 =	sadd.s32 s3, s9;
	s6 =	sadd.s32 @!p0 $0x88, s6;
	s7 =	simm.s32 @p2 $0x1082  }
0x22: {  	[simem:s7], [sflag:s8] =	dma.local @!p0 [hbm:s6], $0xF7A  }
0x23: {  	s9 =	sor.u32 $0xD0000000, s2;
	s6 =	simm.s32 $0x108;
	_ =	swait.ge @!p0 [sflag:s8], $0x0  }
0x24: {  	s3 =	sadd.s32 $0x88, s3;
	s6 =	simm.s32 @!p1 $0x1082;
	[sflag:s4] =	ssyncset.s32 $0xFFFFF086  }
0x25: {  	[simem:s6], [sflag:s4] =	dma.local [hbm:s3], $0xF7A  }
0x26: {  	[smem:$0x3F9D] =	sst s1;
	(tag) =	ssettag s2;
	_ =	strace s9  }
0x27: {  	s1 =	sld [smem:$0x3FAD]  }
0x28: {  	s2 =	sld [smem:$0x3FAE]  }
0x29: {  	s4 =	sld [smem:$0x3FB0]  }
0x2a: {  	p0 =	seq.s32 s5, $0x0;
	s5 =	sld [smem:$0x3FB1]  }
0x2b: {  	s6 =	sld [smem:$0x3FB2]  }
0x2c: {  	s7 =	sld [smem:$0x3FB3]  }
0x2d: {  	s3 =	simm.s32 $0x108;
	s8 =	sld [smem:$0x3FB4]  }
0x2e: {  	s3 =	simm.s32 @!p0 $0x1082;
	s9 =	sld [smem:$0x3FB5]  }
0x2f: {  	lr =	sadd.s32 s0, s3;
	s0 =	sld [smem:$0x3FAC]  }
0x30: {  	s3 =	sld [smem:$0x3FAF]  }
0x31: {  	[smem:$0x3FB8] =	sst s10  }
0x32: {  	s10 =	sld [smem:$0x3FB6];
	_ =	sdelay $0x3  }
0x33: {  	p0 =	seq.s32 s10, $0x1;
	s10 =	sld [smem:$0x3FB8];
	_ =	sdelay $0x3  }
0x34: {  	[smem:$0x3FB8] =	sst s10  }
0x35: {  	s10 =	sld [smem:$0x3FB7];
	_ =	sdelay $0x3  }
0x36: {  	p1 =	seq.s32 s10, $0x1;
	s10 =	sld [smem:$0x3FB8];
	_ =	sdelay $0x3  }
0x37: {  	[smem:$0x3FB8] =	sst s10  }
0x38: {  	s10 =	sld [smem:$0x3FB9]  }
0x39: {  	_ = 	snop;
	(pc) =	sbr.ind lr, $3  }
0x3a: {  	_ = 	snop  }
0x3b: {  	_ = 	snop  }
0x3c: {  	p2 =	seq.s32 s10, $0x1;
	s10 =	sld [smem:$0x3FB8]  }
0x3d: {  	_ =	shalt  }
0x3e: {  	_ =	shalt  }
0x3f: {  	_ =	shalt  }
0x40: {  	_ =	shalt  }
0x41: {  	_ =	shalt  }
0x42: {  	_ =	shalt  }
0x43: {  	_ =	shalt  }
0x44: {  	_ =	shalt  }
0x45: {  	_ =	shalt  }
0x46: {  	_ =	shalt  }
0x47: {  	_ =	shalt  }
0x48: {  	_ =	shalt  }
0x49: {  	_ =	shalt  }
0x4a: {  	_ =	shalt  }
0x4b: {  	_ =	shalt  }
0x4c: {  	_ =	shalt  }
0x4d: {  	_ =	shalt  }
0x4e: {  	_ =	shalt  }
0x4f: {  	_ =	shalt  }
0x50: {  	_ =	shalt  }
0x51: {  	_ =	shalt  }
0x52: {  	_ =	shalt  }
0x53: {  	_ =	shalt  }
0x54: {  	_ =	shalt  }
0x55: {  	_ =	shalt  }
0x56: {  	_ =	shalt  }
0x57: {  	_ =	shalt  }
0x58: {  	_ =	shalt  }
0x59: {  	_ =	shalt  }
0x5a: {  	_ =	shalt  }
0x5b: {  	_ =	shalt  }
0x5c: {  	_ =	shalt  }
0x5d: {  	_ =	shalt  }
0x5e: {  	_ =	shalt  }
0x5f: {  	_ =	shalt  }
0x60: {  	_ =	shalt  }
0x61: {  	_ =	shalt  }
0x62: {  	_ =	shalt  }
0x63: {  	_ =	shalt  }
0x64: {  	_ =	shalt  }
0x65: {  	_ =	shalt  }
0x66: {  	_ =	shalt  }
0x67: {  	_ =	shalt  }
0x68: {  	_ =	shalt  }
0x69: {  	_ =	shalt  }
0x6a: {  	_ =	shalt  }
0x6b: {  	_ =	shalt  }
0x6c: {  	_ =	shalt  }
0x6d: {  	_ =	shalt  }
0x6e: {  	_ =	shalt  }
0x6f: {  	_ =	shalt  }
0x70: {  	_ =	shalt  }
0x71: {  	_ =	shalt  }
0x72: {  	_ =	shalt  }
0x73: {  	_ =	shalt  }
0x74: {  	_ =	shalt  }
0x75: {  	_ =	shalt  }
0x76: {  	_ =	shalt  }
0x77: {  	_ =	shalt  }
0x78: {  	_ =	shalt  }
0x79: {  	_ =	shalt  }
0x7a: {  	_ =	shalt  }
0x7b: {  	_ =	shalt  }
0x7c: {  	_ =	shalt  }
0x7d: {  	_ =	shalt  }
0x7e: {  	_ =	shalt  }
0x7f: {  	_ =	shalt  }
0x80: {  	_ =	shalt  }
0x81: {  	_ =	shalt  }
0x82: {  	_ =	shalt  }
0x83: {  	_ =	shalt  }
0x84: {  	_ =	shalt  }
0x85: {  	_ =	shalt  }
0x86: {  	_ =	shalt  }
0x87: {  	_ =	shalt  }
.Lfunc_end0:
.L_simem_size_0:
called_computation_lowered:
.L_overlay_start_0:
0x88: {  	s2 =	sld [smem:$0x3FD9]  }
0x89: {  	s3 =	sld [smem:$0x3FFE];
	_ =	sdelay $0x1  }
0x8a: {  	s1 =	srdreg.scid  }
0x8b: {  	s0 =	sand.u32 $0x1, s1  }
0x8c: {  	s16 =	sshll.u32 s0, $0xA;
	s2 =	sadd.s32 s3, s2  }
0x8d: {  	s2 =	sadd.s32 s2, s16  }
0x8e: {  	[smem:$0x3FC4] =	sst s2  }
0x8f: {  	_ = 	snop  }
0x90: {  	(tm) =	ssettm $0x1  }
0x91: {  	s17 =	sld [smem:$0x3FFB];
	_ =	sdelay $0x3  }
0x92: {  	_ =	strace s17  }
0x93: {  	s2 =	sld [smem:$0x3FFC];
	_ =	sdelay $0x3  }
0x94: {  	_ =	strace s2  }
0x95: {  	s2 =	sld [smem:$0x3FFD];
	_ =	sdelay $0x3  }
0x96: {  	_ =	strace s2  }
0x97: {  	_ =	strace $0x8FFFFFFF  }
0x98: {  	s18 =	sld [smem:$0x3FDB];
	_ =	sdelay $0x1  }
0x99: {  	s19 =	simm.s32 $_scs_section_size  }
0x9a: {  	s4 =	simm.s32 $_size__tile_overlayer_lowered;
	s5 =	simm.s32 $_tile_overlayer_lowered  }
0x9b: {  	s22 =	simm.s32 $0x1BFF;
	s21 =	sshll.u32 s5, $0x1;
	s2 =	sadd.s32 s19, s18  }
0x9c: {  	s6 =	simm.s32 $0x0;
	s20 =	sshll.u32 s4, $0x1;
	s4 =	sadd.s32 s21, s2  }
0x9d: {  	[timem:s6], [sflag:s22] =	dma.local [hbm:s4], s20  }
0x9e: {  	_ =	swait.ge [sflag:s22], s20  }
0x9f: {  	s3 =	ssub.s32 $0x0, s20;
	[sflag:s22] =	ssyncset.done $0x0  }
0xa0: {  	[sflag:s22] =	ssyncadd.s32 s3;
	_ =	sdelay $0x1  }
0xa1: {  	s23 =	simm.s32 $0x1B8B  }
0xa2: {  	_ =	swait.ge [sflag:s23], $0x1  }
0xa3: {  	[sflag:s23] =	ssyncset.done $0x0  }
0xa4: {  	s25 =	simm.s32 $0x1B8E;
	s24 =	sld [smem:$0x3FFE];
	[sflag:s23] =	ssyncadd.s32 $0xFFFFFFFF  }
0xa5: {  	s26 =	simm.s32 $execute0_lowered;
	[smem:$0x3FD2] =	sst s25  }
0xa6: {  	s4 =	sshll.u32 s26, $0x1;
	_ =	strace $0x80000046;
	[dreg:$0x1] =	wrdreg $0xFFFFFFFF  }
0xa7: {  	s28 =	simm.s32 $_size_execute0_lowered;
	s2 =	sadd.s32 s2, s4;
	[dreg:$0x0] =	wrdreg $0x0  }
0xa8: {  	s4 =	sshll.u32 s28, $0x1;
	[dreg:$0x2] =	wrdreg s2  }
0xa9: {  	[dreg:$0x3] =	wrdreg s4  }
0xaa: {  	[dreg:$0x4] =	wrdreg $0xC0  }
0xab: {  	_ =	task [dreg:s6], $0x5FFFF  }
0xac: {  	[dreg:$0x1] =	wrdreg $0xFFFFFFFF  }
0xad: {  	[dreg:$0x0] =	wrdreg $0x60  }
0xae: {  	[dreg:$0x2] =	wrdreg s24  }
0xaf: {  	[dreg:$0x3] =	wrdreg $0x9  }
0xb0: {  	_ =	task.clear_ibuf [dreg:s6], $0x4FFFF;
	_ =	strace $0x90000046  }
0xb1: {  	s29 =	simm.s32 $0x9;
	_ =	strace $0x80000048  }
0xb2: {  	_ =	swait.ge [sflag:s29], $0x1  }
0xb3: {  	[sflag:s29] =	ssyncadd.s32 $0xFFFFFFFF  }
0xb4: {  	_ =	strace $0x90000048  }
0xb5: {  	_ =	sfence  }
0xb6: {  	s30 =	sld [smem:$0x0];
	_ =	sdelay $0x2  }
0xb7: {  	s31 =	sshll.u32 s1, $0xD;
	s1 =	sshrl.u32 s1, $0x2  }
0xb8: {  	s3 =	sand.u32 $0x4000, s31;
	s1 =	sadd.s32 s1, s30  }
0xb9: {  	s0 =	sor.u32 s3, s0;
	s1 =	sshll.u32 s1, $0x11  }
0xba: {  	s0 =	sor.u32 s1, s0  }
0xbb: {  	s0 =	sadd.s32 $0x8F2B, s0  }
0xbc: {  	[sflag:s0] =	ssyncadd.remote.s32 $0x1  }
0xbd: {  	_ =	sfence.sel $0xFFFF  }
0xbe: {  	[dreg:$0x0] =	wrdreg $0xFFFFFFFF;
	(pc) =	sbr.abs _section_cstart, $3  }
0xbf: {  	[dreg:$0x1] =	wrdreg $0xFFFFFFFF  }
0xc0: {  	_ =	task.clear_ibuf [dreg:s6], $0x2FFFF;
	_ =	strace $0x9FFFFFFF  }
0xc1: {  	(tm) =	ssettm $0x7FFFFFFF  }
tec
execute0_lowered:
.L_overlay_start_1:
0x0: {  	(tag) =	ssettag $0x1  }
0x1: {  	s3 =	rddreg [dreg:$0x0]  }
0x2: {  	s0 =	rddreg [dreg:$0x1]  }
0x3: {  	s4 =	srdreg.scid;
	s1 =	stileid.u32  }
0x4: {  	s2 =	simm.s32 $0x0;
	s8 =	simm.s32 $0x400;
	s9 =	simm.s32 $0x1  }
0x5: {  	s10 =	simm.s32 $0x4000;
	s11 =	simm.s32 $0x8000;
	s12 =	simm.s32 $0x0  }
0x6: {  	s4 =	sand.u32 $0x1, s4;
	s5 =	sshll.u32 s1, $0x8;
	s6 =	sshrl.u32 s1, $0x2  }
0x7: {  	[smem:$0x7FF] =	sst s2;
	s7 =	sshll.u32 s4, $0x7;
	s5 =	sand.u32 $0x300, s5  }
0x8: {  	s29 =	sshll.u32 s6, $0x11;
	s6 =	sshll.u32 s6, $0xA;
	s5 =	sor.u32 s7, s5  }
0x9: {  	_ =	strace $0x80000047;
	s7 =	sor.u32 s29, s5;
	s5 =	sor.u32 s6, s5  }
0xa: {  	s4 =	ssub.s32 $0x2, s4;
	s7 =	sshrl.u32 s7, $0x3;
	s5 =	sshrl.u32 s5, $0x3  }
0xb: {  	s31 =	sshrl.u32 s4, $0x1;
	s30 =	sadd.s32 s7, s3;
	s5 =	sadd.s32 s5, s3  }
0xc: {  	s7 =	ssub.s32 s4, s31;
	s3 =	sadd.s32 $0x10800, s30;
	s4 =	sadd.s32 $0x800, s30  }
0xd: {  	s5 =	sadd.s32 $0x20800, s5;
	s6 =	smax.u32 s7, $0x1;
	s7 =	simm.s32 $0x80  }
.LBB2_1:
0xe: {  	[tilespmem:s2], [sflag:$0x1] =	stream.strided.gather [hbm4b:s3+s7], $0x4000, s8, s7, $0x38;
	[tilespmem:$0x8080] =	vst v63  }
0xf: {  	_ =	swait.ge [sflag:s9], $0x4000  }
0x10: {  	[sflag:s9] =	ssyncset.done $0x0  }
0x11: {  	[sflag:s9] =	ssyncadd.s32 $0xFFFFC000  }
0x12: {  	[tilespmem:s10], [sflag:$0x1] =	stream.strided.gather [hbm4b:s4+s7], $0x4000, s8, s7, $0x38;
	[tilespmem:$0x8080] =	vst v63  }
0x13: {  	_ =	swait.ge [sflag:s9], $0x4000  }
0x14: {  	[sflag:s9] =	ssyncset.done $0x0  }
0x15: {  	[sflag:s9] =	ssyncadd.s32 $0xFFFFC000  }
0x16: {  	v1 =	vld [tilespmem:s2+$0x0];
	_ =	sdelay $0x2  }
0x17: {  	v2 =	vimm.s32 $0x80000000;
	v0 =	vmov s2  }
0x18: {  	v3 =	vimm.s32 $0xFFFFFFFF;
	v4 =	vimm.s32 $0xFFFFFFFF;
	vm0 =	vgt.u32 v0, $0x3FF  }
0x19: {  	s14 =	simm.s32 $0x1;
	s15 =	simm.s32 $0x10;
	s13 =	simm.s32 $0x0;
	vm2 =	vle.s32 v0, v3;
	v0 =	vimm.s32 $0x80000000;
	vm1 =	vne.s32 v1, v2  }
.LBB2_2:
0x1a: {  	v5 =	vld [tilespmem:s15+$0x0];
	p0 =	sne.s32 s14, $0x3FF;
	vm3 =	veq.s32 v1, $0x7FFFFFFF;
	vm4 =	vle.s32 v1, v0;
	vm1 =	vmor vm2, vm1;
	s16 =	smov.u32 s14;
	s14 =	sadd.s32 $0x1, s14  }
.Ltmp0:
0x1b: {  	vm0 =	vmand vm0, vm3;
	vm1 =	vmand vm4, vm1;
	(pc) =	sbr.rel @p0 .LBB2_2-.Ltmp0, $4  }
0x1c: {  	vm0 =	vmor vm0, vm1  }
0x1d: {  	v0 =	vsel vm0, v0, v1;
	v4 =	vnsel vm0, s13, v4;
	s13 =	smov.u32 s16  }
0x1e: {  	v6 =	vmov s13  }
0x1f: {  	s15 =	sadd.s32 $0x10, s15;
	vm0 =	vgt.u32 v6, $0x3FF;
	vm1 =	vne.s32 v5, v0;
	vm2 =	vle.s32 v6, v4;
	v1 =	vmovc v5  }
0x20: {  	s14 =	simm.s32 $0x0  }
0x21: {  	v5 =	vld [tilespmem:s14+$0x0]  }
0x22: {  	vm3 =	veq.s32 v1, $0x7FFFFFFF;
	vm1 =	vmor vm2, vm1;
	vm2 =	vle.s32 v1, v0  }
0x23: {  	vm0 =	vmand vm0, vm3;
	vm1 =	vmand vm2, vm1  }
0x24: {  	vm0 =	vmor vm0, vm1  }
0x25: {  	v0 =	vsel vm0, v0, v1;
	v1 =	vnsel vm0, s13, v4;
	v4 =	vmov s14  }
0x26: {  	s15 =	simm.s32 $0x1;
	s16 =	simm.s32 $0x10;
	s13 =	simm.s32 $0x0;
	vm1 =	vge.s32 v4, v1;
	vm0 =	vge.s32 v5, v0  }
.LBB2_4:
0x27: {  	v6 =	vld [tilespmem:s16+$0x0];
	vm2 =	vne.s32 v5, v0;
	vm3 =	vne.s32 v5, v2;
	vm4 =	vle.s32 v4, v3;
	s17 =	smov.u32 s15;
	p0 =	sne.s32 s15, $0x3FF  }
.Ltmp1:
0x28: {  	s15 =	sadd.s32 $0x1, s15;
	vm1 =	vmor vm1, vm2;
	vm2 =	vle.s32 v5, v2;
	vm3 =	vmor vm4, vm3;
	(pc) =	sbr.rel @p0 .LBB2_4-.Ltmp1, $4  }
0x29: {  	vm0 =	vmand vm0, vm1;
	vm1 =	vmand vm2, vm3  }
0x2a: {  	vm0 =	vmor vm0, vm1  }
0x2b: {  	v4 =	vmov s17;
	v2 =	vsel vm0, v2, v5;
	v3 =	vnsel vm0, s13, v3;
	s13 =	smov.u32 s17  }
0x2c: {  	s16 =	sadd.s32 $0x10, s16;
	vm1 =	vge.s32 v4, v1;
	vm0 =	vge.s32 v6, v0;
	v5 =	vmov v6  }
0x2d: {  	vm2 =	vne.s32 v5, v0;
	vm3 =	vne.s32 v5, v2;
	vm4 =	vle.s32 v4, v3;
	v4 =	vld [tilespmem:s14+$0x0]  }
0x2e: {  	vm1 =	vmor vm1, vm2;
	vm2 =	vle.s32 v5, v2;
	vm3 =	vmor vm4, vm3  }
0x2f: {  	v0 =	vimm.s32 $0x80000000;
	vm0 =	vmand vm0, vm1;
	vm1 =	vmand vm2, vm3  }
0x30: {  	v1 =	vimm.s32 $0xFFFFFFFF;
	v7 =	vmov s14;
	vm0 =	vmor vm0, vm1  }
0x31: {  	v5 =	vsel vm0, v2, v5;
	v6 =	vnsel vm0, s13, v3;
	v2 =	vimm.s32 $0x80000000  }
0x32: {  	s15 =	simm.s32 $0x10;
	s13 =	simm.s32 $0x1;
	v3 =	vimm.s32 $0xFFFFFFFF;
	vm0 =	vge.s32 v4, v5;
	vm1 =	vge.s32 v7, v6  }
.LBB2_6:
0x33: {  	v8 =	vld [tilespmem:s15+$0x0];
	vm2 =	vne.s32 v4, v5;
	vm3 =	vne.s32 v4, v2;
	vm4 =	vle.s32 v7, v3;
	s16 =	smov.u32 s13;
	p0 =	sne.s32 s13, $0x3FF  }
.Ltmp2:
0x34: {  	s13 =	sadd.s32 $0x1, s13;
	vm1 =	vmor vm1, vm2;
	vm2 =	vle.s32 v4, v2;
	vm3 =	vmor vm4, vm3;
	(pc) =	sbr.rel @p0 .LBB2_6-.Ltmp2, $4  }
0x35: {  	vm0 =	vmand vm0, vm1;
	vm1 =	vmand vm2, vm3  }
0x36: {  	vm0 =	vmor vm0, vm1  }
0x37: {  	v7 =	vmov s16;
	v2 =	vsel vm0, v2, v4;
	v3 =	vnsel vm0, s14, v3;
	s14 =	smov.u32 s16  }
0x38: {  	s15 =	sadd.s32 $0x10, s15;
	vm1 =	vge.s32 v7, v6;
	vm0 =	vge.s32 v8, v5;
	v4 =	vmov v8  }
0x39: {  	s13 =	simm.s32 $0x0  }
0x3a: {  	vm2 =	vne.s32 v4, v5;
	vm3 =	vne.s32 v4, v2;
	vm4 =	vle.s32 v7, v3;
	v5 =	vld [tilespmem:s13+$0x0]  }
0x3b: {  	vm1 =	vmor vm1, vm2;
	vm2 =	vmor vm4, vm3;
	vm3 =	vle.s32 v4, v2  }
0x3c: {  	vm0 =	vmand vm0, vm1;
	vm1 =	vmand vm3, vm2  }
0x3d: {  	vm0 =	vmor vm0, vm1  }
0x3e: {  	v2 =	vsel vm0, v2, v4;
	v3 =	vnsel vm0, s14, v3;
	v4 =	vmov s13  }
0x3f: {  	s15 =	simm.s32 $0x1;
	s16 =	simm.s32 $0x10;
	s14 =	simm.s32 $0x0;
	vm1 =	vge.s32 v4, v3;
	vm0 =	vge.s32 v5, v2  }
.LBB2_8:
0x40: {  	v6 =	vld [tilespmem:s16+$0x0];
	vm2 =	vne.s32 v5, v2;
	vm3 =	vne.s32 v5, v0;
	vm4 =	vle.s32 v4, v1;
	s17 =	smov.u32 s15;
	p0 =	sne.s32 s15, $0x3FF  }
.Ltmp3:
0x41: {  	s15 =	sadd.s32 $0x1, s15;
	vm1 =	vmor vm1, vm2;
	vm2 =	vle.s32 v5, v0;
	vm3 =	vmor vm4, vm3;
	(pc) =	sbr.rel @p0 .LBB2_8-.Ltmp3, $4  }
0x42: {  	vm0 =	vmand vm0, vm1;
	vm1 =	vmand vm2, vm3  }
0x43: {  	vm0 =	vmor vm0, vm1  }
0x44: {  	v4 =	vmov s17;
	v0 =	vsel vm0, v0, v5;
	v1 =	vnsel vm0, s14, v1;
	s14 =	smov.u32 s17  }
0x45: {  	s16 =	sadd.s32 $0x10, s16;
	vm1 =	vge.s32 v4, v3;
	vm0 =	vge.s32 v6, v2;
	v5 =	vmov v6  }
0x46: {  	vm2 =	vne.s32 v5, v2;
	vm3 =	vne.s32 v5, v0;
	vm4 =	vle.s32 v4, v1;
	v4 =	vld [tilespmem:s13+$0x0]  }
0x47: {  	vm1 =	vmor vm1, vm2;
	vm2 =	vle.s32 v5, v0;
	vm3 =	vmor vm4, vm3  }
0x48: {  	v2 =	vimm.s32 $0x80000000;
	vm0 =	vmand vm0, vm1;
	vm1 =	vmand vm2, vm3  }
0x49: {  	v3 =	vimm.s32 $0xFFFFFFFF;
	v7 =	vmov s13;
	vm0 =	vmor vm0, vm1  }
0x4a: {  	v5 =	vsel vm0, v0, v5;
	v6 =	vnsel vm0, s14, v1;
	v0 =	vimm.s32 $0x80000000  }
0x4b: {  	s15 =	simm.s32 $0x10;
	s14 =	simm.s32 $0x1;
	v1 =	vimm.s32 $0xFFFFFFFF;
	vm0 =	vge.s32 v4, v5;
	vm1 =	vge.s32 v7, v6  }
.LBB2_10:
0x4c: {  	v8 =	vld [tilespmem:s15+$0x0];
	vm2 =	vne.s32 v4, v5;
	vm3 =	vne.s32 v4, v0;
	vm4 =	vle.s32 v7, v1;
	s16 =	smov.u32 s14;
	p0 =	sne.s32 s14, $0x3FF  }
.Ltmp4:
0x4d: {  	s14 =	sadd.s32 $0x1, s14;
	vm1 =	vmor vm1, vm2;
	vm2 =	vle.s32 v4, v0;
	vm3 =	vmor vm4, vm3;
	(pc) =	sbr.rel @p0 .LBB2_10-.Ltmp4, $4  }
0x4e: {  	vm0 =	vmand vm0, vm1;
	vm1 =	vmand vm2, vm3  }
0x4f: {  	vm0 =	vmor vm0, vm1  }
0x50: {  	v7 =	vmov s16;
	v0 =	vsel vm0, v0, v4;
	v1 =	vnsel vm0, s13, v1;
	s13 =	smov.u32 s16  }
0x51: {  	s15 =	sadd.s32 $0x10, s15;
	vm1 =	vge.s32 v7, v6;
	vm0 =	vge.s32 v8, v5;
	v4 =	vmov v8  }
0x52: {  	s14 =	simm.s32 $0x0  }
0x53: {  	vm2 =	vne.s32 v4, v5;
	vm3 =	vne.s32 v4, v0;
	vm4 =	vle.s32 v7, v1;
	v5 =	vld [tilespmem:s14+$0x0]  }
0x54: {  	vm1 =	vmor vm1, vm2;
	vm2 =	vmor vm4, vm3;
	vm3 =	vle.s32 v4, v0  }
0x55: {  	vm0 =	vmand vm0, vm1;
	vm1 =	vmand vm3, vm2  }
0x56: {  	vm0 =	vmor vm0, vm1  }
0x57: {  	v0 =	vsel vm0, v0, v4;
	v1 =	vnsel vm0, s13, v1;
	v4 =	vmov s14  }
0x58: {  	s15 =	simm.s32 $0x1;
	s16 =	simm.s32 $0x10;
	s13 =	simm.s32 $0x0;
	vm1 =	vge.s32 v4, v1;
	vm0 =	vge.s32 v5, v0  }
.LBB2_12:
0x59: {  	v6 =	vld [tilespmem:s16+$0x0];
	vm2 =	vne.s32 v5, v0;
	vm3 =	vne.s32 v5, v2;
	vm4 =	vle.s32 v4, v3;
	s17 =	smov.u32 s15;
	p0 =	sne.s32 s15, $0x3FF  }
.Ltmp5:
0x5a: {  	s15 =	sadd.s32 $0x1, s15;
	vm1 =	vmor vm1, vm2;
	vm2 =	vle.s32 v5, v2;
	vm3 =	vmor vm4, vm3;
	(pc) =	sbr.rel @p0 .LBB2_12-.Ltmp5, $4  }
0x5b: {  	vm0 =	vmand vm0, vm1;
	vm1 =	vmand vm2, vm3  }
0x5c: {  	vm0 =	vmor vm0, vm1  }
0x5d: {  	v4 =	vmov s17;
	v2 =	vsel vm0, v2, v5;
	v3 =	vnsel vm0, s13, v3;
	s13 =	smov.u32 s17  }
0x5e: {  	s16 =	sadd.s32 $0x10, s16;
	vm1 =	vge.s32 v4, v1;
	vm0 =	vge.s32 v6, v0;
	v5 =	vmov v6  }
0x5f: {  	vm2 =	vne.s32 v5, v0;
	vm3 =	vne.s32 v5, v2;
	vm4 =	vle.s32 v4, v3;
	v4 =	vld [tilespmem:s14+$0x0]  }
0x60: {  	vm1 =	vmor vm1, vm2;
	vm2 =	vle.s32 v5, v2;
	vm3 =	vmor vm4, vm3  }
0x61: {  	v0 =	vimm.s32 $0x80000000;
	vm0 =	vmand vm0, vm1;
	vm1 =	vmand vm2, vm3  }
0x62: {  	v1 =	vimm.s32 $0xFFFFFFFF;
	v7 =	vmov s14;
	vm0 =	vmor vm0, vm1  }
0x63: {  	v5 =	vsel vm0, v2, v5;
	v6 =	vnsel vm0, s13, v3;
	v2 =	vimm.s32 $0x80000000  }
0x64: {  	s15 =	simm.s32 $0x10;
	s13 =	simm.s32 $0x1;
	v3 =	vimm.s32 $0xFFFFFFFF;
	vm0 =	vge.s32 v4, v5;
	vm1 =	vge.s32 v7, v6  }
.LBB2_14:
0x65: {  	v8 =	vld [tilespmem:s15+$0x0];
	vm2 =	vne.s32 v4, v5;
	vm3 =	vne.s32 v4, v2;
	vm4 =	vle.s32 v7, v3;
	s16 =	smov.u32 s13;
	p0 =	sne.s32 s13, $0x3FF  }
.Ltmp6:
0x66: {  	s13 =	sadd.s32 $0x1, s13;
	vm1 =	vmor vm1, vm2;
	vm2 =	vle.s32 v4, v2;
	vm3 =	vmor vm4, vm3;
	(pc) =	sbr.rel @p0 .LBB2_14-.Ltmp6, $4  }
0x67: {  	vm0 =	vmand vm0, vm1;
	vm1 =	vmand vm2, vm3  }
0x68: {  	vm0 =	vmor vm0, vm1  }
0x69: {  	v7 =	vmov s16;
	v2 =	vsel vm0, v2, v4;
	v3 =	vnsel vm0, s14, v3;
	s14 =	smov.u32 s16  }
0x6a: {  	s15 =	sadd.s32 $0x10, s15;
	vm1 =	vge.s32 v7, v6;
	vm0 =	vge.s32 v8, v5;
	v4 =	vmov v8  }
0x6b: {  	s13 =	simm.s32 $0x0  }
0x6c: {  	vm2 =	vne.s32 v4, v5;
	vm3 =	vne.s32 v4, v2;
	vm4 =	vle.s32 v7, v3;
	v5 =	vld [tilespmem:s13+$0x0]  }
0x6d: {  	vm1 =	vmor vm1, vm2;
	vm2 =	vmor vm4, vm3;
	vm3 =	vle.s32 v4, v2  }
0x6e: {  	vm0 =	vmand vm0, vm1;
	vm1 =	vmand vm3, vm2  }
0x6f: {  	vm0 =	vmor vm0, vm1  }
0x70: {  	v2 =	vsel vm0, v2, v4;
	v3 =	vnsel vm0, s14, v3;
	v4 =	vmov s13  }
0x71: {  	s15 =	simm.s32 $0x1;
	s16 =	simm.s32 $0x10;
	s14 =	simm.s32 $0x0;
	vm1 =	vge.s32 v4, v3;
	vm0 =	vge.s32 v5, v2  }
.LBB2_16:
0x72: {  	v6 =	vld [tilespmem:s16+$0x0];
	vm2 =	vne.s32 v5, v2;
	vm3 =	vne.s32 v5, v0;
	vm4 =	vle.s32 v4, v1;
	s17 =	smov.u32 s15;
	p0 =	sne.s32 s15, $0x3FF  }
.Ltmp7:
0x73: {  	s15 =	sadd.s32 $0x1, s15;
	vm1 =	vmor vm1, vm2;
	vm2 =	vle.s32 v5, v0;
	vm3 =	vmor vm4, vm3;
	(pc) =	sbr.rel @p0 .LBB2_16-.Ltmp7, $4  }
0x74: {  	vm0 =	vmand vm0, vm1;
	vm1 =	vmand vm2, vm3  }
0x75: {  	vm0 =	vmor vm0, vm1  }
0x76: {  	v4 =	vmov s17;
	v0 =	vsel vm0, v0, v5;
	v1 =	vnsel vm0, s14, v1;
	s14 =	smov.u32 s17  }
0x77: {  	s16 =	sadd.s32 $0x10, s16;
	vm1 =	vge.s32 v4, v3;
	vm0 =	vge.s32 v6, v2;
	v5 =	vmov v6  }
0x78: {  	vm2 =	vne.s32 v5, v2;
	vm3 =	vne.s32 v5, v0;
	vm4 =	vle.s32 v4, v1;
	v4 =	vld [tilespmem:s13+$0x0]  }
0x79: {  	vm1 =	vmor vm1, vm2;
	vm2 =	vle.s32 v5, v0;
	vm3 =	vmor vm4, vm3  }
0x7a: {  	v2 =	vimm.s32 $0x80000000;
	vm0 =	vmand vm0, vm1;
	vm1 =	vmand vm2, vm3  }
0x7b: {  	v3 =	vimm.s32 $0xFFFFFFFF;
	v7 =	vmov s13;
	vm0 =	vmor vm0, vm1  }
0x7c: {  	v5 =	vsel vm0, v0, v5;
	v6 =	vnsel vm0, s14, v1;
	v0 =	vimm.s32 $0x80000000  }
0x7d: {  	s15 =	simm.s32 $0x10;
	s14 =	simm.s32 $0x1;
	v1 =	vimm.s32 $0xFFFFFFFF;
	vm0 =	vge.s32 v4, v5;
	vm1 =	vge.s32 v7, v6  }
.LBB2_18:
0x7e: {  	v8 =	vld [tilespmem:s15+$0x0];
	vm2 =	vne.s32 v4, v5;
	vm3 =	vne.s32 v4, v0;
	vm4 =	vle.s32 v7, v1;
	s16 =	smov.u32 s14;
	p0 =	sne.s32 s14, $0x3FF  }
.Ltmp8:
0x7f: {  	s14 =	sadd.s32 $0x1, s14;
	vm1 =	vmor vm1, vm2;
	vm2 =	vle.s32 v4, v0;
	vm3 =	vmor vm4, vm3;
	(pc) =	sbr.rel @p0 .LBB2_18-.Ltmp8, $4  }
0x80: {  	vm0 =	vmand vm0, vm1;
	vm1 =	vmand vm2, vm3  }
0x81: {  	vm0 =	vmor vm0, vm1  }
0x82: {  	v7 =	vmov s16;
	v0 =	vsel vm0, v0, v4;
	v1 =	vnsel vm0, s13, v1;
	s13 =	smov.u32 s16  }
0x83: {  	s15 =	sadd.s32 $0x10, s15;
	vm1 =	vge.s32 v7, v6;
	vm0 =	vge.s32 v8, v5;
	v4 =	vmov v8  }
0x84: {  	s14 =	simm.s32 $0x0  }
0x85: {  	vm2 =	vne.s32 v4, v5;
	vm3 =	vne.s32 v4, v0;
	vm4 =	vle.s32 v7, v1;
	v5 =	vld [tilespmem:s14+$0x0]  }
0x86: {  	vm1 =	vmor vm1, vm2;
	vm2 =	vmor vm4, vm3;
	vm3 =	vle.s32 v4, v0  }
0x87: {  	vm0 =	vmand vm0, vm1;
	vm1 =	vmand vm3, vm2  }
0x88: {  	vm0 =	vmor vm0, vm1  }
0x89: {  	v0 =	vsel vm0, v0, v4;
	v1 =	vnsel vm0, s13, v1;
	v4 =	vmov s14  }
0x8a: {  	s15 =	simm.s32 $0x1;
	s16 =	simm.s32 $0x10;
	s13 =	simm.s32 $0x0;
	vm1 =	vge.s32 v4, v1;
	vm0 =	vge.s32 v5, v0  }
.LBB2_20:
0x8b: {  	v6 =	vld [tilespmem:s16+$0x0];
	vm2 =	vne.s32 v5, v0;
	vm3 =	vne.s32 v5, v2;
	vm4 =	vle.s32 v4, v3;
	s17 =	smov.u32 s15;
	p0 =	sne.s32 s15, $0x3FF  }
.Ltmp9:
0x8c: {  	s15 =	sadd.s32 $0x1, s15;
	vm1 =	vmor vm1, vm2;
	vm2 =	vle.s32 v5, v2;
	vm3 =	vmor vm4, vm3;
	(pc) =	sbr.rel @p0 .LBB2_20-.Ltmp9, $4  }
0x8d: {  	vm0 =	vmand vm0, vm1;
	vm1 =	vmand vm2, vm3  }
0x8e: {  	vm0 =	vmor vm0, vm1  }
0x8f: {  	v4 =	vmov s17;
	v2 =	vsel vm0, v2, v5;
	v3 =	vnsel vm0, s13, v3;
	s13 =	smov.u32 s17  }
0x90: {  	s16 =	sadd.s32 $0x10, s16;
	vm1 =	vge.s32 v4, v1;
	vm0 =	vge.s32 v6, v0;
	v5 =	vmov v6  }
0x91: {  	vm2 =	vne.s32 v5, v0;
	vm3 =	vne.s32 v5, v2;
	vm4 =	vle.s32 v4, v3;
	v4 =	vld [tilespmem:s14+$0x0]  }
0x92: {  	vm1 =	vmor vm1, vm2;
	vm2 =	vle.s32 v5, v2;
	vm3 =	vmor vm4, vm3  }
0x93: {  	v0 =	vimm.s32 $0x80000000;
	vm0 =	vmand vm0, vm1;
	vm1 =	vmand vm2, vm3  }
0x94: {  	v1 =	vimm.s32 $0xFFFFFFFF;
	v7 =	vmov s14;
	vm0 =	vmor vm0, vm1  }
0x95: {  	v5 =	vsel vm0, v2, v5;
	v6 =	vnsel vm0, s13, v3;
	v2 =	vimm.s32 $0x80000000  }
0x96: {  	s15 =	simm.s32 $0x10;
	s13 =	simm.s32 $0x1;
	v3 =	vimm.s32 $0xFFFFFFFF;
	vm0 =	vge.s32 v4, v5;
	vm1 =	vge.s32 v7, v6  }
.LBB2_22:
0x97: {  	v8 =	vld [tilespmem:s15+$0x0];
	vm2 =	vne.s32 v4, v5;
	vm3 =	vne.s32 v4, v2;
	vm4 =	vle.s32 v7, v3;
	s16 =	smov.u32 s13;
	p0 =	sne.s32 s13, $0x3FF  }
.Ltmp10:
0x98: {  	s13 =	sadd.s32 $0x1, s13;
	vm1 =	vmor vm1, vm2;
	vm2 =	vle.s32 v4, v2;
	vm3 =	vmor vm4, vm3;
	(pc) =	sbr.rel @p0 .LBB2_22-.Ltmp10, $4  }
0x99: {  	vm0 =	vmand vm0, vm1;
	vm1 =	vmand vm2, vm3  }
0x9a: {  	vm0 =	vmor vm0, vm1  }
0x9b: {  	v7 =	vmov s16;
	v2 =	vsel vm0, v2, v4;
	v3 =	vnsel vm0, s14, v3;
	s14 =	smov.u32 s16  }
0x9c: {  	s15 =	sadd.s32 $0x10, s15;
	vm1 =	vge.s32 v7, v6;
	vm0 =	vge.s32 v8, v5;
	v4 =	vmov v8  }
0x9d: {  	s13 =	simm.s32 $0x0  }
0x9e: {  	vm2 =	vne.s32 v4, v5;
	vm3 =	vne.s32 v4, v2;
	vm4 =	vle.s32 v7, v3;
	v5 =	vld [tilespmem:s13+$0x0]  }
0x9f: {  	vm1 =	vmor vm1, vm2;
	vm2 =	vmor vm4, vm3;
	vm3 =	vle.s32 v4, v2  }
0xa0: {  	vm0 =	vmand vm0, vm1;
	vm1 =	vmand vm3, vm2  }
0xa1: {  	vm0 =	vmor vm0, vm1  }
0xa2: {  	v2 =	vsel vm0, v2, v4;
	v3 =	vnsel vm0, s14, v3;
	v4 =	vmov s13  }
0xa3: {  	s15 =	simm.s32 $0x1;
	s16 =	simm.s32 $0x10;
	s14 =	simm.s32 $0x0;
	vm1 =	vge.s32 v4, v3;
	vm0 =	vge.s32 v5, v2  }
.LBB2_24:
0xa4: {  	v6 =	vld [tilespmem:s16+$0x0];
	vm2 =	vne.s32 v5, v2;
	vm3 =	vne.s32 v5, v0;
	vm4 =	vle.s32 v4, v1;
	s17 =	smov.u32 s15;
	p0 =	sne.s32 s15, $0x3FF  }
.Ltmp11:
0xa5: {  	s15 =	sadd.s32 $0x1, s15;
	vm1 =	vmor vm1, vm2;
	vm2 =	vle.s32 v5, v0;
	vm3 =	vmor vm4, vm3;
	(pc) =	sbr.rel @p0 .LBB2_24-.Ltmp11, $4  }
0xa6: {  	vm0 =	vmand vm0, vm1;
	vm1 =	vmand vm2, vm3  }
0xa7: {  	vm0 =	vmor vm0, vm1  }
0xa8: {  	v4 =	vmov s17;
	v0 =	vsel vm0, v0, v5;
	v1 =	vnsel vm0, s14, v1;
	s14 =	smov.u32 s17  }
0xa9: {  	s16 =	sadd.s32 $0x10, s16;
	vm1 =	vge.s32 v4, v3;
	vm0 =	vge.s32 v6, v2;
	v5 =	vmov v6  }
0xaa: {  	vm2 =	vne.s32 v5, v2;
	vm3 =	vne.s32 v5, v0;
	vm4 =	vle.s32 v4, v1;
	v4 =	vld [tilespmem:s13+$0x0]  }
0xab: {  	vm1 =	vmor vm1, vm2;
	vm2 =	vle.s32 v5, v0;
	vm3 =	vmor vm4, vm3  }
0xac: {  	v2 =	vimm.s32 $0x80000000;
	vm0 =	vmand vm0, vm1;
	vm1 =	vmand vm2, vm3  }
0xad: {  	v3 =	vimm.s32 $0xFFFFFFFF;
	v7 =	vmov s13;
	vm0 =	vmor vm0, vm1  }
0xae: {  	v5 =	vsel vm0, v0, v5;
	v6 =	vnsel vm0, s14, v1;
	v0 =	vimm.s32 $0x80000000  }
0xaf: {  	s15 =	simm.s32 $0x10;
	s14 =	simm.s32 $0x1;
	v1 =	vimm.s32 $0xFFFFFFFF;
	vm0 =	vge.s32 v4, v5;
	vm1 =	vge.s32 v7, v6  }
.LBB2_26:
0xb0: {  	v8 =	vld [tilespmem:s15+$0x0];
	vm2 =	vne.s32 v4, v5;
	vm3 =	vne.s32 v4, v0;
	vm4 =	vle.s32 v7, v1;
	s16 =	smov.u32 s14;
	p0 =	sne.s32 s14, $0x3FF  }
.Ltmp12:
0xb1: {  	s14 =	sadd.s32 $0x1, s14;
	vm1 =	vmor vm1, vm2;
	vm2 =	vle.s32 v4, v0;
	vm3 =	vmor vm4, vm3;
	(pc) =	sbr.rel @p0 .LBB2_26-.Ltmp12, $4  }
0xb2: {  	vm0 =	vmand vm0, vm1;
	vm1 =	vmand vm2, vm3  }
0xb3: {  	vm0 =	vmor vm0, vm1  }
0xb4: {  	v7 =	vmov s16;
	v0 =	vsel vm0, v0, v4;
	v1 =	vnsel vm0, s13, v1;
	s13 =	smov.u32 s16  }
0xb5: {  	s15 =	sadd.s32 $0x10, s15;
	vm1 =	vge.s32 v7, v6;
	vm0 =	vge.s32 v8, v5;
	v4 =	vmov v8  }
0xb6: {  	s14 =	simm.s32 $0x0  }
0xb7: {  	vm2 =	vne.s32 v4, v5;
	vm3 =	vne.s32 v4, v0;
	vm4 =	vle.s32 v7, v1;
	v5 =	vld [tilespmem:s14+$0x0]  }
0xb8: {  	vm1 =	vmor vm1, vm2;
	vm2 =	vmor vm4, vm3;
	vm3 =	vle.s32 v4, v0  }
0xb9: {  	vm0 =	vmand vm0, vm1;
	vm1 =	vmand vm3, vm2  }
0xba: {  	vm0 =	vmor vm0, vm1  }
0xbb: {  	v0 =	vsel vm0, v0, v4;
	v1 =	vnsel vm0, s13, v1;
	v4 =	vmov s14  }
0xbc: {  	s15 =	simm.s32 $0x1;
	s16 =	simm.s32 $0x10;
	s13 =	simm.s32 $0x0;
	vm1 =	vge.s32 v4, v1;
	vm0 =	vge.s32 v5, v0  }
.LBB2_28:
0xbd: {  	v6 =	vld [tilespmem:s16+$0x0];
	vm2 =	vne.s32 v5, v0;
	vm3 =	vne.s32 v5, v2;
	vm4 =	vle.s32 v4, v3;
	s17 =	smov.u32 s15;
	p0 =	sne.s32 s15, $0x3FF  }
.Ltmp13:
0xbe: {  	s15 =	sadd.s32 $0x1, s15;
	vm1 =	vmor vm1, vm2;
	vm2 =	vle.s32 v5, v2;
	vm3 =	vmor vm4, vm3;
	(pc) =	sbr.rel @p0 .LBB2_28-.Ltmp13, $4  }
0xbf: {  	vm0 =	vmand vm0, vm1;
	vm1 =	vmand vm2, vm3  }
0xc0: {  	vm0 =	vmor vm0, vm1  }
0xc1: {  	v4 =	vmov s17;
	v2 =	vsel vm0, v2, v5;
	v3 =	vnsel vm0, s13, v3;
	s13 =	smov.u32 s17  }
0xc2: {  	s16 =	sadd.s32 $0x10, s16;
	vm1 =	vge.s32 v4, v1;
	vm0 =	vge.s32 v6, v0;
	v5 =	vmov v6  }
0xc3: {  	vm2 =	vne.s32 v5, v0;
	vm3 =	vne.s32 v5, v2;
	vm4 =	vle.s32 v4, v3;
	v4 =	vld [tilespmem:s14+$0x0]  }
0xc4: {  	vm1 =	vmor vm1, vm2;
	vm2 =	vle.s32 v5, v2;
	vm3 =	vmor vm4, vm3  }
0xc5: {  	v1 =	vimm.s32 $0x80000000;
	vm0 =	vmand vm0, vm1;
	vm1 =	vmand vm2, vm3  }
0xc6: {  	v0 =	vimm.s32 $0xFFFFFFFF;
	v7 =	vmov s14;
	vm0 =	vmor vm0, vm1  }
0xc7: {  	v5 =	vsel vm0, v2, v5;
	v6 =	vnsel vm0, s13, v3;
	v2 =	vimm.s32 $0x80000000  }
0xc8: {  	s15 =	simm.s32 $0x10;
	s13 =	simm.s32 $0x1;
	v3 =	vimm.s32 $0xFFFFFFFF;
	vm0 =	vge.s32 v4, v5;
	vm1 =	vge.s32 v7, v6  }
.LBB2_30:
0xc9: {  	v8 =	vld [tilespmem:s15+$0x0];
	vm2 =	vne.s32 v4, v5;
	vm3 =	vne.s32 v4, v2;
	vm4 =	vle.s32 v7, v3;
	s16 =	smov.u32 s13;
	p0 =	sne.s32 s13, $0x3FF  }
.Ltmp14:
0xca: {  	s13 =	sadd.s32 $0x1, s13;
	vm1 =	vmor vm1, vm2;
	vm2 =	vle.s32 v4, v2;
	vm3 =	vmor vm4, vm3;
	(pc) =	sbr.rel @p0 .LBB2_30-.Ltmp14, $4  }
0xcb: {  	vm0 =	vmand vm0, vm1;
	vm1 =	vmand vm2, vm3  }
0xcc: {  	vm0 =	vmor vm0, vm1  }
0xcd: {  	v7 =	vmov s16;
	v2 =	vsel vm0, v2, v4;
	v3 =	vnsel vm0, s14, v3;
	s14 =	smov.u32 s16  }
0xce: {  	s15 =	sadd.s32 $0x10, s15;
	vm1 =	vge.s32 v7, v6;
	vm0 =	vge.s32 v8, v5;
	v4 =	vmov v8  }
0xcf: {  	s13 =	simm.s32 $0x0  }
0xd0: {  	vm2 =	vne.s32 v4, v5;
	vm3 =	vne.s32 v4, v2;
	vm4 =	vle.s32 v7, v3;
	v5 =	vld [tilespmem:s13+$0x0]  }
0xd1: {  	vm1 =	vmor vm1, vm2;
	vm2 =	vmor vm4, vm3;
	vm3 =	vle.s32 v4, v2  }
0xd2: {  	vm0 =	vmand vm0, vm1;
	vm1 =	vmand vm3, vm2  }
0xd3: {  	vm0 =	vmor vm0, vm1  }
0xd4: {  	v2 =	vsel vm0, v2, v4;
	v3 =	vnsel vm0, s14, v3;
	v4 =	vmov s13  }
0xd5: {  	s15 =	simm.s32 $0x1;
	s16 =	simm.s32 $0x10;
	s14 =	simm.s32 $0x0;
	vm1 =	vge.s32 v4, v3;
	vm0 =	vge.s32 v5, v2  }
.LBB2_32:
0xd6: {  	v6 =	vld [tilespmem:s16+$0x0];
	vm2 =	vne.s32 v5, v2;
	vm3 =	vne.s32 v5, v1;
	vm4 =	vle.s32 v4, v0;
	s17 =	smov.u32 s15;
	p0 =	sne.s32 s15, $0x3FF  }
.Ltmp15:
0xd7: {  	s15 =	sadd.s32 $0x1, s15;
	vm1 =	vmor vm1, vm2;
	vm2 =	vle.s32 v5, v1;
	vm3 =	vmor vm4, vm3;
	(pc) =	sbr.rel @p0 .LBB2_32-.Ltmp15, $4  }
0xd8: {  	vm0 =	vmand vm0, vm1;
	vm1 =	vmand vm2, vm3  }
0xd9: {  	vm0 =	vmor vm0, vm1  }
0xda: {  	v4 =	vmov s17;
	v1 =	vsel vm0, v1, v5;
	v0 =	vnsel vm0, s14, v0;
	s14 =	smov.u32 s17  }
0xdb: {  	s16 =	sadd.s32 $0x10, s16;
	vm1 =	vge.s32 v4, v3;
	vm0 =	vge.s32 v6, v2;
	v5 =	vmov v6  }
0xdc: {  	vm2 =	vne.s32 v5, v2;
	vm3 =	vne.s32 v5, v1;
	vm4 =	vle.s32 v4, v0  }
0xdd: {  	vm1 =	vmor vm1, vm2;
	vm2 =	vle.s32 v5, v1;
	vm3 =	vmor vm4, vm3  }
0xde: {  	vm0 =	vmand vm0, vm1;
	vm1 =	vmand vm2, vm3  }
0xdf: {  	vm0 =	vmor vm0, vm1  }
0xe0: {  	v0 =	vnsel vm0, s14, v0;
	s14 =	simm.s32 $0x4000  }
0xe1: {  	v2 =	vld [tilespmem:s14+$0x0];
	_ =	sdelay $0x1  }
0xe2: {  	v3 =	vmov s13  }
0xe3: {  	s13 =	simm.s32 $0x1;
	v1 =	vimm.s32 $0x0;
	vm0 =	veq.s32 v3, v0  }
.LBB2_34:
0xe4: {  	p0 =	sne.s32 s13, $0x3FF  }
0xe5: {  	v1 =	vsel vm0, v2, v1;
	s14 =	sadd.s32 $0x10, s14;
	s15 =	smov.u32 s13;
	s13 =	sadd.s32 $0x1, s13  }
.Ltmp16:
0xe6: {  	v2 =	vld [tilespmem:s14+$0x0];
	(pc) =	sbr.rel @p0 .LBB2_34-.Ltmp16, $3  }
0xe7: {  	_ =	sdelay $0x1  }
0xe8: {  	v3 =	vmov s15  }
0xe9: {  	vm0 =	veq.s32 v3, v0  }
0xea: {  	s12 =	sadd.s32 $0x1, s12  }
0xeb: {  	v0 =	vsel vm0, v2, v1;
	p0 =	sne.s32 s12, s6  }
.Ltmp17:
0xec: {  	[tilespmem:$0x8000] =	vst v0;
	(pc) =	sbr.rel @p0 .LBB2_1-.Ltmp17, $4  }
0xed: {  	[hbm4b:s5+s2] =	stream.linear.scatter [tilespmem:s11], [sflag:$0x1], $0x80, $0x38;
	[tilespmem:$0x8080] =	vst v63  }
0xee: {  	_ =	swait.ge [sflag:s9], $0x80  }
0xef: {  	[sflag:s9] =	ssyncset.done $0x0  }
0xf0: {  	[sflag:s9] =	ssyncadd.s32 $0xFFFFFF80  }
0xf1: {  	_ =	sfence.sel $0x180000  }
0xf2: {  	[bflag:$0x0] =	sbarrier.arrive $0xFFFF  }
0xf3: {  	p0 =	sne.s32 s1, $0x0;
	_ =	strace $0x90000047  }
0xf4: {  	s0 =	sadd.s32 @!p0 $0x100000, s0;
	[bflag:$0x2] =	sbarrier.arrive $0xFFFF  }
0xf5: {  	[sflag:s0] =	ssyncadd.tile.s32 @!p0 $0x1;
	_ =	shalt  }
.Lfunc_end2:
_tile_overlayer_lowered:
.L_overlay_start_2:
0xf6: {  	(tag) =	ssettag $0x2  }
0xf7: {  	s0 =	rddreg [dreg:$0x0];
	s2 =	stileid.u32  }
0xf8: {  	s1 =	rddreg [dreg:$0x1];
	p0 =	sne.s32 s2, $0x0  }
0xf9: {  	s3 =	rddreg [dreg:$0x2];
	[bflag:$0x3] =	sbarrier.arrive $0xFFFF;
	s2 =	simm.s32 @!p0 $0x1C01  }
0xfa: {  	[timem:s3], [sflag:s2] =	dma.local @!p0 [hbm:s0], s1  }
0xfb: {  	s0 =	simm.s32 @!p0 $0x1  }
0xfc: {  	_ =	swait.ge @!p0 [sflag:s0], s1  }
0xfd: {  	s1 =	ssub.s32 @!p0 $0x0, s1;
	[sflag:s0] =	ssyncset.done @!p0 $0x0  }
0xfe: {  	[sflag:s0] =	ssyncadd.s32 @!p0 s1  }
0xff: {  	[bflag:$0x3] =	sbarrier.arrive $0xFFFF  }
0x100: {  	_ =	shalt  }

</sc_bundles>
